<compile_context>
chip_gen: v7x
topology: tpu7x:2x2x1
jax: 0.10.2.dev20260603
libtpu: 0.0.44.dev20260713+nightly
codegen_flags: <defaults>
</compile_context>

<pallas_src>
import functools

import jax
import jax.numpy as jnp
from jax import lax
from jax.experimental import pallas as pl
from jax.experimental.pallas import tpu as pltpu
from jax.experimental.pallas import tpu_sc as plsc

NX = 512
NY = 512
NCELLS = NX * NY
F = 6
NC = 2
FC = F // NC
NS = 16
CHUNK = 12544
NP_PAD = NS * CHUNK
ACC = FC * NCELLS
ACC_SLICE = ACC // NS
ZB = 4096

_mesh = plsc.VectorSubcoreMesh(core_axis_name="c", subcore_axis_name="s")


@functools.partial(
    pl.kernel,
    mesh=_mesh,
    out_type=jax.ShapeDtypeStruct((NC * ACC,), jnp.float32),
    scratch_types=[
        pltpu.VMEM_SHARED((ACC,), jnp.float32),
        pltpu.VMEM((ZB,), jnp.float32),
        pltpu.VMEM((CHUNK,), jnp.int32),
        pltpu.VMEM((CHUNK,), jnp.int32),
        pltpu.VMEM((CHUNK,), jnp.float32),
        pltpu.VMEM((CHUNK,), jnp.float32),
        pltpu.SemaphoreType.DMA,
        pltpu.SemaphoreType.DMA,
        pltpu.SemaphoreType.DMA,
    ],
)
def _sc_scatter(vcat_hbm, idx_hbm, part_hbm,
                acc, zb, isha, ishb, vwa, vwb, semz, sla, slb):
    c = lax.axis_index("c")
    s = lax.axis_index("s")
    base = s * CHUNK
    a0 = s * ACC_SLICE
    bufs = (vwa, vwb)
    ishs = (isha, ishb)
    lsems = (sla, slb)
    f0 = c * FC

    idx_load = pltpu.async_copy(idx_hbm.at[pl.ds(base, CHUNK)], isha, slb)
    loads = [pltpu.async_copy(
        vcat_hbm.at[pl.ds(f0 * NP_PAD + base, CHUNK)], vwa, sla)]

    @pl.loop(0, ZB // 16)
    def _(i):
        zb[pl.ds(i * 16, 16)] = jnp.zeros((16,), jnp.float32)

    zcopies = [
        pltpu.async_copy(zb, acc.at[pl.ds(a0 + i * ZB, ZB)], semz)
        for i in range(ACC_SLICE // ZB)
    ]
    for zc in zcopies:
        zc.wait()
    idx_load.wait()
    plsc.subcore_barrier()

    for f in range(FC):
        b = f % 2
        if f + 1 < FC:
            loads.append(pltpu.async_copy(
                vcat_hbm.at[pl.ds((f0 + f + 1) * NP_PAD + base, CHUNK)],
                bufs[1 - b], lsems[1 - b]))

            @pl.loop(0, CHUNK // 128)
            def _(i, b=b):
                for j in range(8):
                    sl = pl.ds(i * 128 + j * 16, 16)
                    ishs[1 - b][sl] = ishs[b][sl] + NCELLS

        loads[f].wait()
        pltpu.sync_copy(bufs[b], acc.at[ishs[b]], add=True)

    plsc.subcore_barrier()
    pltpu.sync_copy(acc.at[pl.ds(a0, ACC_SLICE)],
                    part_hbm.at[pl.ds(c * ACC + a0, ACC_SLICE)])


_TCROWS = NCELLS // 128


def _tc_assemble_body(a_ref, o_ref):
    o_ref[...] = a_ref[...].reshape(1, NX, NY)


_tc_assemble = pl.pallas_call(
    _tc_assemble_body,
    grid=(F,),
    in_specs=[pl.BlockSpec((_TCROWS, 128), lambda i: (i, 0))],
    out_specs=pl.BlockSpec((1, NX, NY), lambda i: (i, 0, 0)),
    out_shape=jax.ShapeDtypeStruct((F, NX, NY), jnp.float32),
)


def kernel(x, indices):
    n = x.shape[0]
    idx = indices.astype(jnp.int32)
    npad = NP_PAD - n
    idx_pad = jnp.concatenate(
        [idx, (jnp.arange(npad, dtype=jnp.int32) * 97) % NCELLS])
    xf = x.astype(jnp.float32)
    zpad = jnp.zeros((npad,), jnp.float32)
    vcat = jnp.concatenate(
        [jnp.concatenate([xf[:, f], zpad]) for f in range(F)])
    part = _sc_scatter(vcat, idx_pad)
    return _tc_assemble(part.reshape(F * _TCROWS, 128))

# --- scband reference (transcript-rebuilt; emitter-appended) ---
"""Pipeline reference for scband-pillar-feature-net-25881472926249 (READ-ONLY COPY).

The authoritative reference and input builder live on the scoring server;
editing this copy changes nothing except your own understanding.
"""

import jax, jax.numpy as jnp
import numpy as np

N_PILLARS_X = 512
N_PILLARS_Y = 512
N_POINTS = 200000
N_FEATS = 6

def setup_inputs(seed: int = 0) -> dict:
    key = jax.random.key(seed)
    k1, k2 = jax.random.split(key)
    x = jax.random.normal(k1, (N_POINTS, N_FEATS), dtype=jnp.float32)
    indices = jax.random.randint(k2, (N_POINTS,), 0, N_PILLARS_X * N_PILLARS_Y, dtype=jnp.int64 if jax.config.jax_enable_x64 else jnp.int32)
    return {"x": x, "indices": indices}

def reference(x, indices):
    # Equivalent of sparse_coo_tensor(ones) @ x: scatter-add of each point's
    # features into its pillar row, i.e. a segment sum over pillar ids.
    n_cells = N_PILLARS_X * N_PILLARS_Y
    grid = jax.ops.segment_sum(x, indices, num_segments=n_cells)
    grid3d = grid.reshape((N_PILLARS_X, N_PILLARS_Y, x.shape[1]))
    grid3d = jnp.transpose(grid3d, (2, 0, 1))
    return grid3d

if __name__ == "__main__":
    import jax
    _d = setup_inputs()
    print(jax.jit(kernel)(*tuple(_d.values())))

</pallas_src>

<mosaic_0001>
#map = affine_map<(d0, d1) -> (0)>
module attributes {stable_mosaic.version = 14 : i64} {
  func.func @_sc_scatter(%arg0: i32, %arg1: i32, %arg2: memref<1204224xf32, #tpu.memory_space<hbm>>, %arg3: memref<200704xi32, #tpu.memory_space<hbm>>, %arg4: memref<1572864xf32, #tpu.memory_space<hbm>>, %arg5: memref<786432xf32, #tpu.memory_space<vmem_shared>>, %arg6: memref<4096xf32, #tpu.memory_space<vmem>>, %arg7: memref<12544xi32, #tpu.memory_space<vmem>>, %arg8: memref<12544xi32, #tpu.memory_space<vmem>>, %arg9: memref<12544xf32, #tpu.memory_space<vmem>>, %arg10: memref<12544xf32, #tpu.memory_space<vmem>>, %arg11: memref<!tpu.dma_semaphore, #tpu.memory_space<semaphore_mem>>, %arg12: memref<!tpu.dma_semaphore, #tpu.memory_space<semaphore_mem>>, %arg13: memref<!tpu.dma_semaphore, #tpu.memory_space<semaphore_mem>>) attributes {dimension_semantics = [#tpu.dimension_semantics<core_parallel>, #tpu.dimension_semantics<subcore_parallel>], iteration_bounds = array<i64: 2, 16>, scalar_prefetch = 0 : i64, scratch_operands = 9 : i64, tpu.core_type = #tpu.core_type<sc_vector_subcore>, window_params = [{transform_indices = #map}, {transform_indices = #map}, {transform_indices = #map}]} {
    %mul3A = arith.constant 12544 : i32
    %mul3A_0 = arith.muli %arg1, %mul3A : i32
    %mul3A_1 = arith.constant 49152 : i32
    %mul3A_2 = arith.muli %arg1, %mul3A_1 : i32
    %mul3A_3 = arith.constant 3 : i32
    %mul3A_4 = arith.muli %arg0, %mul3A_3 : i32
    %dma_start3A = tpu.memref_slice %arg3[%mul3A_0] : memref<200704xi32, #tpu.memory_space<hbm>> -> memref<12544xi32, #tpu.memory_space<hbm>>
    %dma_start3A_5 = tpu.memref_slice %arg3[%mul3A_0] : memref<200704xi32, #tpu.memory_space<hbm>> -> memref<12544xi32, #tpu.memory_space<hbm>>
    tpu.enqueue_dma source(%dma_start3A_5 : memref<12544xi32, #tpu.memory_space<hbm>>) target(%arg7 : memref<12544xi32, #tpu.memory_space<vmem>>) target_semaphore(%arg13 : memref<!tpu.dma_semaphore, #tpu.memory_space<semaphore_mem>>)
    %mul3A_6 = arith.constant 200704 : i32
    %mul3A_7 = arith.muli %mul3A_4, %mul3A_6 : i32
    %add3A = arith.addi %mul3A_7, %mul3A_0 : i32
    %dma_start3A_8 = tpu.memref_slice %arg2[%add3A] : memref<1204224xf32, #tpu.memory_space<hbm>> -> memref<12544xf32, #tpu.memory_space<hbm>>
    %dma_start3A_9 = tpu.memref_slice %arg2[%add3A] : memref<1204224xf32, #tpu.memory_space<hbm>> -> memref<12544xf32, #tpu.memory_space<hbm>>
    tpu.enqueue_dma source(%dma_start3A_9 : memref<12544xf32, #tpu.memory_space<hbm>>) target(%arg9 : memref<12544xf32, #tpu.memory_space<vmem>>) target_semaphore(%arg12 : memref<!tpu.dma_semaphore, #tpu.memory_space<semaphore_mem>>)
    %scan3A = arith.constant 0 : i32
    %scan3A_10 = arith.constant 256 : i32
    %scan3A_11 = arith.addi %scan3A, %scan3A_10 : i32
    %scan3A_12 = arith.constant 1 : i32
    scf.for %scan3A_125 = %scan3A to %scan3A_11 step %scan3A_12  : i32 {
      %mul3A_126 = arith.constant 1 : i32
      %mul3A_127 = arith.muli %scan3A_125, %mul3A_126 : i32
      %add3A_128 = arith.constant 0 : i32
      %add3A_129 = arith.addi %add3A_128, %mul3A_127 : i32
      %broadcast_in_dim3A = arith.constant 0.000000e+00 : f32
      %broadcast_in_dim3A_130 = vector.broadcast %broadcast_in_dim3A : f32 to vector<16xf32>
      %mul3A_131 = arith.constant 16 : i32
      %mul3A_132 = arith.muli %add3A_129, %mul3A_131 : i32
      %swap3A = arith.index_cast %mul3A_132 : i32 to index
      %swap3A_133 = tpu.vector_load %arg6[%swap3A] {strides = array<i32>} : memref<4096xf32, #tpu.memory_space<vmem>>, vector<16xf32>,
      %swap3A_134 = vector.shape_cast %swap3A_133 : vector<16xf32> to vector<16xf32>
      %swap3A_135 = vector.shape_cast %broadcast_in_dim3A_130 : vector<16xf32> to vector<16xf32>
      tpu.vector_store %arg6[%swap3A], %swap3A_135 {strides = array<i32>} : memref<4096xf32, #tpu.memory_space<vmem>>, vector<16xf32>,
    }
    %scan3A_13 = arith.constant 256 : i32
    %add3A_14 = arith.constant 0 : i32
    %add3A_15 = arith.addi %mul3A_2, %add3A_14 : i32
    %dma_start3A_16 = tpu.memref_slice %arg5[%add3A_15] : memref<786432xf32, #tpu.memory_space<vmem_shared>> -> memref<4096xf32, #tpu.memory_space<vmem_shared>>
    %dma_start3A_17 = tpu.memref_slice %arg5[%add3A_15] : memref<786432xf32, #tpu.memory_space<vmem_shared>> -> memref<4096xf32, #tpu.memory_space<vmem_shared>>
    tpu.enqueue_dma source(%arg6 : memref<4096xf32, #tpu.memory_space<vmem>>) target(%dma_start3A_17 : memref<4096xf32, #tpu.memory_space<vmem_shared>>) target_semaphore(%arg11 : memref<!tpu.dma_semaphore, #tpu.memory_space<semaphore_mem>>)
    %add3A_18 = arith.constant 4096 : i32
    %add3A_19 = arith.addi %mul3A_2, %add3A_18 : i32
    %dma_start3A_20 = tpu.memref_slice %arg5[%add3A_19] : memref<786432xf32, #tpu.memory_space<vmem_shared>> -> memref<4096xf32, #tpu.memory_space<vmem_shared>>
    %dma_start3A_21 = tpu.memref_slice %arg5[%add3A_19] : memref<786432xf32, #tpu.memory_space<vmem_shared>> -> memref<4096xf32, #tpu.memory_space<vmem_shared>>
    tpu.enqueue_dma source(%arg6 : memref<4096xf32, #tpu.memory_space<vmem>>) target(%dma_start3A_21 : memref<4096xf32, #tpu.memory_space<vmem_shared>>) target_semaphore(%arg11 : memref<!tpu.dma_semaphore, #tpu.memory_space<semaphore_mem>>)
    %add3A_22 = arith.constant 8192 : i32
    %add3A_23 = arith.addi %mul3A_2, %add3A_22 : i32
    %dma_start3A_24 = tpu.memref_slice %arg5[%add3A_23] : memref<786432xf32, #tpu.memory_space<vmem_shared>> -> memref<4096xf32, #tpu.memory_space<vmem_shared>>
    %dma_start3A_25 = tpu.memref_slice %arg5[%add3A_23] : memref<786432xf32, #tpu.memory_space<vmem_shared>> -> memref<4096xf32, #tpu.memory_space<vmem_shared>>
    tpu.enqueue_dma source(%arg6 : memref<4096xf32, #tpu.memory_space<vmem>>) target(%dma_start3A_25 : memref<4096xf32, #tpu.memory_space<vmem_shared>>) target_semaphore(%arg11 : memref<!tpu.dma_semaphore, #tpu.memory_space<semaphore_mem>>)
    %add3A_26 = arith.constant 12288 : i32
    %add3A_27 = arith.addi %mul3A_2, %add3A_26 : i32
    %dma_start3A_28 = tpu.memref_slice %arg5[%add3A_27] : memref<786432xf32, #tpu.memory_space<vmem_shared>> -> memref<4096xf32, #tpu.memory_space<vmem_shared>>
    %dma_start3A_29 = tpu.memref_slice %arg5[%add3A_27] : memref<786432xf32, #tpu.memory_space<vmem_shared>> -> memref<4096xf32, #tpu.memory_space<vmem_shared>>
    tpu.enqueue_dma source(%arg6 : memref<4096xf32, #tpu.memory_space<vmem>>) target(%dma_start3A_29 : memref<4096xf32, #tpu.memory_space<vmem_shared>>) target_semaphore(%arg11 : memref<!tpu.dma_semaphore, #tpu.memory_space<semaphore_mem>>)
    %add3A_30 = arith.constant 16384 : i32
    %add3A_31 = arith.addi %mul3A_2, %add3A_30 : i32
    %dma_start3A_32 = tpu.memref_slice %arg5[%add3A_31] : memref<786432xf32, #tpu.memory_space<vmem_shared>> -> memref<4096xf32, #tpu.memory_space<vmem_shared>>
    %dma_start3A_33 = tpu.memref_slice %arg5[%add3A_31] : memref<786432xf32, #tpu.memory_space<vmem_shared>> -> memref<4096xf32, #tpu.memory_space<vmem_shared>>
    tpu.enqueue_dma source(%arg6 : memref<4096xf32, #tpu.memory_space<vmem>>) target(%dma_start3A_33 : memref<4096xf32, #tpu.memory_space<vmem_shared>>) target_semaphore(%arg11 : memref<!tpu.dma_semaphore, #tpu.memory_space<semaphore_mem>>)
    %add3A_34 = arith.constant 20480 : i32
    %add3A_35 = arith.addi %mul3A_2, %add3A_34 : i32
    %dma_start3A_36 = tpu.memref_slice %arg5[%add3A_35] : memref<786432xf32, #tpu.memory_space<vmem_shared>> -> memref<4096xf32, #tpu.memory_space<vmem_shared>>
    %dma_start3A_37 = tpu.memref_slice %arg5[%add3A_35] : memref<786432xf32, #tpu.memory_space<vmem_shared>> -> memref<4096xf32, #tpu.memory_space<vmem_shared>>
    tpu.enqueue_dma source(%arg6 : memref<4096xf32, #tpu.memory_space<vmem>>) target(%dma_start3A_37 : memref<4096xf32, #tpu.memory_space<vmem_shared>>) target_semaphore(%arg11 : memref<!tpu.dma_semaphore, #tpu.memory_space<semaphore_mem>>)
    %add3A_38 = arith.constant 24576 : i32
    %add3A_39 = arith.addi %mul3A_2, %add3A_38 : i32
    %dma_start3A_40 = tpu.memref_slice %arg5[%add3A_39] : memref<786432xf32, #tpu.memory_space<vmem_shared>> -> memref<4096xf32, #tpu.memory_space<vmem_shared>>
    %dma_start3A_41 = tpu.memref_slice %arg5[%add3A_39] : memref<786432xf32, #tpu.memory_space<vmem_shared>> -> memref<4096xf32, #tpu.memory_space<vmem_shared>>
    tpu.enqueue_dma source(%arg6 : memref<4096xf32, #tpu.memory_space<vmem>>) target(%dma_start3A_41 : memref<4096xf32, #tpu.memory_space<vmem_shared>>) target_semaphore(%arg11 : memref<!tpu.dma_semaphore, #tpu.memory_space<semaphore_mem>>)
    %add3A_42 = arith.constant 28672 : i32
    %add3A_43 = arith.addi %mul3A_2, %add3A_42 : i32
    %dma_start3A_44 = tpu.memref_slice %arg5[%add3A_43] : memref<786432xf32, #tpu.memory_space<vmem_shared>> -> memref<4096xf32, #tpu.memory_space<vmem_shared>>
    %dma_start3A_45 = tpu.memref_slice %arg5[%add3A_43] : memref<786432xf32, #tpu.memory_space<vmem_shared>> -> memref<4096xf32, #tpu.memory_space<vmem_shared>>
    tpu.enqueue_dma source(%arg6 : memref<4096xf32, #tpu.memory_space<vmem>>) target(%dma_start3A_45 : memref<4096xf32, #tpu.memory_space<vmem_shared>>) target_semaphore(%arg11 : memref<!tpu.dma_semaphore, #tpu.memory_space<semaphore_mem>>)
    %add3A_46 = arith.constant 32768 : i32
    %add3A_47 = arith.addi %mul3A_2, %add3A_46 : i32
    %dma_start3A_48 = tpu.memref_slice %arg5[%add3A_47] : memref<786432xf32, #tpu.memory_space<vmem_shared>> -> memref<4096xf32, #tpu.memory_space<vmem_shared>>
    %dma_start3A_49 = tpu.memref_slice %arg5[%add3A_47] : memref<786432xf32, #tpu.memory_space<vmem_shared>> -> memref<4096xf32, #tpu.memory_space<vmem_shared>>
    tpu.enqueue_dma source(%arg6 : memref<4096xf32, #tpu.memory_space<vmem>>) target(%dma_start3A_49 : memref<4096xf32, #tpu.memory_space<vmem_shared>>) target_semaphore(%arg11 : memref<!tpu.dma_semaphore, #tpu.memory_space<semaphore_mem>>)
    %add3A_50 = arith.constant 36864 : i32
    %add3A_51 = arith.addi %mul3A_2, %add3A_50 : i32
    %dma_start3A_52 = tpu.memref_slice %arg5[%add3A_51] : memref<786432xf32, #tpu.memory_space<vmem_shared>> -> memref<4096xf32, #tpu.memory_space<vmem_shared>>
    %dma_start3A_53 = tpu.memref_slice %arg5[%add3A_51] : memref<786432xf32, #tpu.memory_space<vmem_shared>> -> memref<4096xf32, #tpu.memory_space<vmem_shared>>
    tpu.enqueue_dma source(%arg6 : memref<4096xf32, #tpu.memory_space<vmem>>) target(%dma_start3A_53 : memref<4096xf32, #tpu.memory_space<vmem_shared>>) target_semaphore(%arg11 : memref<!tpu.dma_semaphore, #tpu.memory_space<semaphore_mem>>)
    %add3A_54 = arith.constant 40960 : i32
    %add3A_55 = arith.addi %mul3A_2, %add3A_54 : i32
    %dma_start3A_56 = tpu.memref_slice %arg5[%add3A_55] : memref<786432xf32, #tpu.memory_space<vmem_shared>> -> memref<4096xf32, #tpu.memory_space<vmem_shared>>
    %dma_start3A_57 = tpu.memref_slice %arg5[%add3A_55] : memref<786432xf32, #tpu.memory_space<vmem_shared>> -> memref<4096xf32, #tpu.memory_space<vmem_shared>>
    tpu.enqueue_dma source(%arg6 : memref<4096xf32, #tpu.memory_space<vmem>>) target(%dma_start3A_57 : memref<4096xf32, #tpu.memory_space<vmem_shared>>) target_semaphore(%arg11 : memref<!tpu.dma_semaphore, #tpu.memory_space<semaphore_mem>>)
    %add3A_58 = arith.constant 45056 : i32
    %add3A_59 = arith.addi %mul3A_2, %add3A_58 : i32
    %dma_start3A_60 = tpu.memref_slice %arg5[%add3A_59] : memref<786432xf32, #tpu.memory_space<vmem_shared>> -> memref<4096xf32, #tpu.memory_space<vmem_shared>>
    %dma_start3A_61 = tpu.memref_slice %arg5[%add3A_59] : memref<786432xf32, #tpu.memory_space<vmem_shared>> -> memref<4096xf32, #tpu.memory_space<vmem_shared>>
    tpu.enqueue_dma source(%arg6 : memref<4096xf32, #tpu.memory_space<vmem>>) target(%dma_start3A_61 : memref<4096xf32, #tpu.memory_space<vmem_shared>>) target_semaphore(%arg11 : memref<!tpu.dma_semaphore, #tpu.memory_space<semaphore_mem>>)
    %dma_wait3A = tpu.memref_slice %arg5[%add3A_15] : memref<786432xf32, #tpu.memory_space<vmem_shared>> -> memref<4096xf32, #tpu.memory_space<vmem_shared>>
    %dma_wait3A_62 = tpu.memref_slice %arg5[%add3A_15] : memref<786432xf32, #tpu.memory_space<vmem_shared>> -> memref<4096xf32, #tpu.memory_space<vmem_shared>>
    tpu.wait_dma2 semaphore(%arg11 : memref<!tpu.dma_semaphore, #tpu.memory_space<semaphore_mem>>) src(%arg6 : memref<4096xf32, #tpu.memory_space<vmem>>) dst(%dma_wait3A_62 : memref<4096xf32, #tpu.memory_space<vmem_shared>>)
    %dma_wait3A_63 = tpu.memref_slice %arg5[%add3A_19] : memref<786432xf32, #tpu.memory_space<vmem_shared>> -> memref<4096xf32, #tpu.memory_space<vmem_shared>>
    %dma_wait3A_64 = tpu.memref_slice %arg5[%add3A_19] : memref<786432xf32, #tpu.memory_space<vmem_shared>> -> memref<4096xf32, #tpu.memory_space<vmem_shared>>
    tpu.wait_dma2 semaphore(%arg11 : memref<!tpu.dma_semaphore, #tpu.memory_space<semaphore_mem>>) src(%arg6 : memref<4096xf32, #tpu.memory_space<vmem>>) dst(%dma_wait3A_64 : memref<4096xf32, #tpu.memory_space<vmem_shared>>)
    %dma_wait3A_65 = tpu.memref_slice %arg5[%add3A_23] : memref<786432xf32, #tpu.memory_space<vmem_shared>> -> memref<4096xf32, #tpu.memory_space<vmem_shared>>
    %dma_wait3A_66 = tpu.memref_slice %arg5[%add3A_23] : memref<786432xf32, #tpu.memory_space<vmem_shared>> -> memref<4096xf32, #tpu.memory_space<vmem_shared>>
    tpu.wait_dma2 semaphore(%arg11 : memref<!tpu.dma_semaphore, #tpu.memory_space<semaphore_mem>>) src(%arg6 : memref<4096xf32, #tpu.memory_space<vmem>>) dst(%dma_wait3A_66 : memref<4096xf32, #tpu.memory_space<vmem_shared>>)
    %dma_wait3A_67 = tpu.memref_slice %arg5[%add3A_27] : memref<786432xf32, #tpu.memory_space<vmem_shared>> -> memref<4096xf32, #tpu.memory_space<vmem_shared>>
    %dma_wait3A_68 = tpu.memref_slice %arg5[%add3A_27] : memref<786432xf32, #tpu.memory_space<vmem_shared>> -> memref<4096xf32, #tpu.memory_space<vmem_shared>>
    tpu.wait_dma2 semaphore(%arg11 : memref<!tpu.dma_semaphore, #tpu.memory_space<semaphore_mem>>) src(%arg6 : memref<4096xf32, #tpu.memory_space<vmem>>) dst(%dma_wait3A_68 : memref<4096xf32, #tpu.memory_space<vmem_shared>>)
    %dma_wait3A_69 = tpu.memref_slice %arg5[%add3A_31] : memref<786432xf32, #tpu.memory_space<vmem_shared>> -> memref<4096xf32, #tpu.memory_space<vmem_shared>>
    %dma_wait3A_70 = tpu.memref_slice %arg5[%add3A_31] : memref<786432xf32, #tpu.memory_space<vmem_shared>> -> memref<4096xf32, #tpu.memory_space<vmem_shared>>
    tpu.wait_dma2 semaphore(%arg11 : memref<!tpu.dma_semaphore, #tpu.memory_space<semaphore_mem>>) src(%arg6 : memref<4096xf32, #tpu.memory_space<vmem>>) dst(%dma_wait3A_70 : memref<4096xf32, #tpu.memory_space<vmem_shared>>)
    %dma_wait3A_71 = tpu.memref_slice %arg5[%add3A_35] : memref<786432xf32, #tpu.memory_space<vmem_shared>> -> memref<4096xf32, #tpu.memory_space<vmem_shared>>
    %dma_wait3A_72 = tpu.memref_slice %arg5[%add3A_35] : memref<786432xf32, #tpu.memory_space<vmem_shared>> -> memref<4096xf32, #tpu.memory_space<vmem_shared>>
    tpu.wait_dma2 semaphore(%arg11 : memref<!tpu.dma_semaphore, #tpu.memory_space<semaphore_mem>>) src(%arg6 : memref<4096xf32, #tpu.memory_space<vmem>>) dst(%dma_wait3A_72 : memref<4096xf32, #tpu.memory_space<vmem_shared>>)
    %dma_wait3A_73 = tpu.memref_slice %arg5[%add3A_39] : memref<786432xf32, #tpu.memory_space<vmem_shared>> -> memref<4096xf32, #tpu.memory_space<vmem_shared>>
    %dma_wait3A_74 = tpu.memref_slice %arg5[%add3A_39] : memref<786432xf32, #tpu.memory_space<vmem_shared>> -> memref<4096xf32, #tpu.memory_space<vmem_shared>>
    tpu.wait_dma2 semaphore(%arg11 : memref<!tpu.dma_semaphore, #tpu.memory_space<semaphore_mem>>) src(%arg6 : memref<4096xf32, #tpu.memory_space<vmem>>) dst(%dma_wait3A_74 : memref<4096xf32, #tpu.memory_space<vmem_shared>>)
    %dma_wait3A_75 = tpu.memref_slice %arg5[%add3A_43] : memref<786432xf32, #tpu.memory_space<vmem_shared>> -> memref<4096xf32, #tpu.memory_space<vmem_shared>>
    %dma_wait3A_76 = tpu.memref_slice %arg5[%add3A_43] : memref<786432xf32, #tpu.memory_space<vmem_shared>> -> memref<4096xf32, #tpu.memory_space<vmem_shared>>
    tpu.wait_dma2 semaphore(%arg11 : memref<!tpu.dma_semaphore, #tpu.memory_space<semaphore_mem>>) src(%arg6 : memref<4096xf32, #tpu.memory_space<vmem>>) dst(%dma_wait3A_76 : memref<4096xf32, #tpu.memory_space<vmem_shared>>)
    %dma_wait3A_77 = tpu.memref_slice %arg5[%add3A_47] : memref<786432xf32, #tpu.memory_space<vmem_shared>> -> memref<4096xf32, #tpu.memory_space<vmem_shared>>
    %dma_wait3A_78 = tpu.memref_slice %arg5[%add3A_47] : memref<786432xf32, #tpu.memory_space<vmem_shared>> -> memref<4096xf32, #tpu.memory_space<vmem_shared>>
    tpu.wait_dma2 semaphore(%arg11 : memref<!tpu.dma_semaphore, #tpu.memory_space<semaphore_mem>>) src(%arg6 : memref<4096xf32, #tpu.memory_space<vmem>>) dst(%dma_wait3A_78 : memref<4096xf32, #tpu.memory_space<vmem_shared>>)
    %dma_wait3A_79 = tpu.memref_slice %arg5[%add3A_51] : memref<786432xf32, #tpu.memory_space<vmem_shared>> -> memref<4096xf32, #tpu.memory_space<vmem_shared>>
    %dma_wait3A_80 = tpu.memref_slice %arg5[%add3A_51] : memref<786432xf32, #tpu.memory_space<vmem_shared>> -> memref<4096xf32, #tpu.memory_space<vmem_shared>>
    tpu.wait_dma2 semaphore(%arg11 : memref<!tpu.dma_semaphore, #tpu.memory_space<semaphore_mem>>) src(%arg6 : memref<4096xf32, #tpu.memory_space<vmem>>) dst(%dma_wait3A_80 : memref<4096xf32, #tpu.memory_space<vmem_shared>>)
    %dma_wait3A_81 = tpu.memref_slice %arg5[%add3A_55] : memref<786432xf32, #tpu.memory_space<vmem_shared>> -> memref<4096xf32, #tpu.memory_space<vmem_shared>>
    %dma_wait3A_82 = tpu.memref_slice %arg5[%add3A_55] : memref<786432xf32, #tpu.memory_space<vmem_shared>> -> memref<4096xf32, #tpu.memory_space<vmem_shared>>
    tpu.wait_dma2 semaphore(%arg11 : memref<!tpu.dma_semaphore, #tpu.memory_space<semaphore_mem>>) src(%arg6 : memref<4096xf32, #tpu.memory_space<vmem>>) dst(%dma_wait3A_82 : memref<4096xf32, #tpu.memory_space<vmem_shared>>)
    %dma_wait3A_83 = tpu.memref_slice %arg5[%add3A_59] : memref<786432xf32, #tpu.memory_space<vmem_shared>> -> memref<4096xf32, #tpu.memory_space<vmem_shared>>
    %dma_wait3A_84 = tpu.memref_slice %arg5[%add3A_59] : memref<786432xf32, #tpu.memory_space<vmem_shared>> -> memref<4096xf32, #tpu.memory_space<vmem_shared>>
    tpu.wait_dma2 semaphore(%arg11 : memref<!tpu.dma_semaphore, #tpu.memory_space<semaphore_mem>>) src(%arg6 : memref<4096xf32, #tpu.memory_space<vmem>>) dst(%dma_wait3A_84 : memref<4096xf32, #tpu.memory_space<vmem_shared>>)
    %dma_wait3A_85 = tpu.memref_slice %arg3[%mul3A_0] : memref<200704xi32, #tpu.memory_space<hbm>> -> memref<12544xi32, #tpu.memory_space<hbm>>
    %dma_wait3A_86 = tpu.memref_slice %arg3[%mul3A_0] : memref<200704xi32, #tpu.memory_space<hbm>> -> memref<12544xi32, #tpu.memory_space<hbm>>
    tpu.wait_dma2 semaphore(%arg13 : memref<!tpu.dma_semaphore, #tpu.memory_space<semaphore_mem>>) src(%dma_wait3A_86 : memref<12544xi32, #tpu.memory_space<hbm>>) dst(%arg7 : memref<12544xi32, #tpu.memory_space<vmem>>)
    %barrier3A = arith.constant 0 : index
    tpu.barrier barrier_id(%barrier3A)
    %add3A_87 = arith.constant 0 : i32
    %add3A_88 = arith.addi %mul3A_4, %add3A_87 : i32
    %add3A_89 = arith.constant 1 : i32
    %add3A_90 = arith.addi %add3A_88, %add3A_89 : i32
    %mul3A_91 = arith.constant 200704 : i32
    %mul3A_92 = arith.muli %add3A_90, %mul3A_91 : i32
    %add3A_93 = arith.addi %mul3A_92, %mul3A_0 : i32
    %dma_start3A_94 = tpu.memref_slice %arg2[%add3A_93] : memref<1204224xf32, #tpu.memory_space<hbm>> -> memref<12544xf32, #tpu.memory_space<hbm>>
    %dma_start3A_95 = tpu.memref_slice %arg2[%add3A_93] : memref<1204224xf32, #tpu.memory_space<hbm>> -> memref<12544xf32, #tpu.memory_space<hbm>>
    tpu.enqueue_dma source(%dma_start3A_95 : memref<12544xf32, #tpu.memory_space<hbm>>) target(%arg10 : memref<12544xf32, #tpu.memory_space<vmem>>) target_semaphore(%arg13 : memref<!tpu.dma_semaphore, #tpu.memory_space<semaphore_mem>>)
    %scan3A_96 = arith.constant 0 : i32
    %scan3A_97 = arith.constant 98 : i32
    %scan3A_98 = arith.addi %scan3A_96, %scan3A_97 : i32
    %scan3A_99 = arith.constant 1 : i32
    scf.for %scan3A_125 = %scan3A_96 to %scan3A_98 step %scan3A_99  : i32 {
      %mul3A_126 = arith.constant 1 : i32
      %mul3A_127 = arith.muli %scan3A_125, %mul3A_126 : i32
      %add3A_128 = arith.constant 0 : i32
      %add3A_129 = arith.addi %add3A_128, %mul3A_127 : i32
      %mul3A_130 = arith.constant 128 : i32
      %mul3A_131 = arith.muli %add3A_129, %mul3A_130 : i32
      %add3A_132 = arith.constant 0 : i32
      %add3A_133 = arith.addi %mul3A_131, %add3A_132 : i32
      %get3A = arith.index_cast %add3A_133 : i32 to index
      %get3A_134 = tpu.vector_load %arg7[%get3A] {strides = array<i32>} : memref<12544xi32, #tpu.memory_space<vmem>>, vector<16xi32>,
      %get3A_135 = vector.shape_cast %get3A_134 : vector<16xi32> to vector<16xi32>
      %add3A_136 = arith.constant 262144 : i32
      %add3A_137 = vector.broadcast %add3A_136 : i32 to vector<16xi32>
      %add3A_138 = arith.addi %get3A_135, %add3A_137 : vector<16xi32>
      %swap3A = arith.index_cast %add3A_133 : i32 to index
      %swap3A_139 = tpu.vector_load %arg8[%swap3A] {strides = array<i32>} : memref<12544xi32, #tpu.memory_space<vmem>>, vector<16xi32>,
      %swap3A_140 = vector.shape_cast %swap3A_139 : vector<16xi32> to vector<16xi32>
      %swap3A_141 = vector.shape_cast %add3A_138 : vector<16xi32> to vector<16xi32>
      tpu.vector_store %arg8[%swap3A], %swap3A_141 {strides = array<i32>} : memref<12544xi32, #tpu.memory_space<vmem>>, vector<16xi32>,
      %mul3A_142 = arith.constant 128 : i32
      %mul3A_143 = arith.muli %add3A_129, %mul3A_142 : i32
      %add3A_144 = arith.constant 16 : i32
      %add3A_145 = arith.addi %mul3A_143, %add3A_144 : i32
      %get3A_146 = arith.index_cast %add3A_145 : i32 to index
      %get3A_147 = tpu.vector_load %arg7[%get3A_146] {strides = array<i32>} : memref<12544xi32, #tpu.memory_space<vmem>>, vector<16xi32>,
      %get3A_148 = vector.shape_cast %get3A_147 : vector<16xi32> to vector<16xi32>
      %add3A_149 = arith.constant 262144 : i32
      %add3A_150 = vector.broadcast %add3A_149 : i32 to vector<16xi32>
      %add3A_151 = arith.addi %get3A_148, %add3A_150 : vector<16xi32>
      %swap3A_152 = arith.index_cast %add3A_145 : i32 to index
      %swap3A_153 = tpu.vector_load %arg8[%swap3A_152] {strides = array<i32>} : memref<12544xi32, #tpu.memory_space<vmem>>, vector<16xi32>,
      %swap3A_154 = vector.shape_cast %swap3A_153 : vector<16xi32> to vector<16xi32>
      %swap3A_155 = vector.shape_cast %add3A_151 : vector<16xi32> to vector<16xi32>
      tpu.vector_store %arg8[%swap3A_152], %swap3A_155 {strides = array<i32>} : memref<12544xi32, #tpu.memory_space<vmem>>, vector<16xi32>,
      %mul3A_156 = arith.constant 128 : i32
      %mul3A_157 = arith.muli %add3A_129, %mul3A_156 : i32
      %add3A_158 = arith.constant 32 : i32
      %add3A_159 = arith.addi %mul3A_157, %add3A_158 : i32
      %get3A_160 = arith.index_cast %add3A_159 : i32 to index
      %get3A_161 = tpu.vector_load %arg7[%get3A_160] {strides = array<i32>} : memref<12544xi32, #tpu.memory_space<vmem>>, vector<16xi32>,
      %get3A_162 = vector.shape_cast %get3A_161 : vector<16xi32> to vector<16xi32>
      %add3A_163 = arith.constant 262144 : i32
      %add3A_164 = vector.broadcast %add3A_163 : i32 to vector<16xi32>
      %add3A_165 = arith.addi %get3A_162, %add3A_164 : vector<16xi32>
      %swap3A_166 = arith.index_cast %add3A_159 : i32 to index
      %swap3A_167 = tpu.vector_load %arg8[%swap3A_166] {strides = array<i32>} : memref<12544xi32, #tpu.memory_space<vmem>>, vector<16xi32>,
      %swap3A_168 = vector.shape_cast %swap3A_167 : vector<16xi32> to vector<16xi32>
      %swap3A_169 = vector.shape_cast %add3A_165 : vector<16xi32> to vector<16xi32>
      tpu.vector_store %arg8[%swap3A_166], %swap3A_169 {strides = array<i32>} : memref<12544xi32, #tpu.memory_space<vmem>>, vector<16xi32>,
      %mul3A_170 = arith.constant 128 : i32
      %mul3A_171 = arith.muli %add3A_129, %mul3A_170 : i32
      %add3A_172 = arith.constant 48 : i32
      %add3A_173 = arith.addi %mul3A_171, %add3A_172 : i32
      %get3A_174 = arith.index_cast %add3A_173 : i32 to index
      %get3A_175 = tpu.vector_load %arg7[%get3A_174] {strides = array<i32>} : memref<12544xi32, #tpu.memory_space<vmem>>, vector<16xi32>,
      %get3A_176 = vector.shape_cast %get3A_175 : vector<16xi32> to vector<16xi32>
      %add3A_177 = arith.constant 262144 : i32
      %add3A_178 = vector.broadcast %add3A_177 : i32 to vector<16xi32>
      %add3A_179 = arith.addi %get3A_176, %add3A_178 : vector<16xi32>
      %swap3A_180 = arith.index_cast %add3A_173 : i32 to index
      %swap3A_181 = tpu.vector_load %arg8[%swap3A_180] {strides = array<i32>} : memref<12544xi32, #tpu.memory_space<vmem>>, vector<16xi32>,
      %swap3A_182 = vector.shape_cast %swap3A_181 : vector<16xi32> to vector<16xi32>
      %swap3A_183 = vector.shape_cast %add3A_179 : vector<16xi32> to vector<16xi32>
      tpu.vector_store %arg8[%swap3A_180], %swap3A_183 {strides = array<i32>} : memref<12544xi32, #tpu.memory_space<vmem>>, vector<16xi32>,
      %mul3A_184 = arith.constant 128 : i32
      %mul3A_185 = arith.muli %add3A_129, %mul3A_184 : i32
      %add3A_186 = arith.constant 64 : i32
      %add3A_187 = arith.addi %mul3A_185, %add3A_186 : i32
      %get3A_188 = arith.index_cast %add3A_187 : i32 to index
      %get3A_189 = tpu.vector_load %arg7[%get3A_188] {strides = array<i32>} : memref<12544xi32, #tpu.memory_space<vmem>>, vector<16xi32>,
      %get3A_190 = vector.shape_cast %get3A_189 : vector<16xi32> to vector<16xi32>
      %add3A_191 = arith.constant 262144 : i32
      %add3A_192 = vector.broadcast %add3A_191 : i32 to vector<16xi32>
      %add3A_193 = arith.addi %get3A_190, %add3A_192 : vector<16xi32>
      %swap3A_194 = arith.index_cast %add3A_187 : i32 to index
      %swap3A_195 = tpu.vector_load %arg8[%swap3A_194] {strides = array<i32>} : memref<12544xi32, #tpu.memory_space<vmem>>, vector<16xi32>,
      %swap3A_196 = vector.shape_cast %swap3A_195 : vector<16xi32> to vector<16xi32>
      %swap3A_197 = vector.shape_cast %add3A_193 : vector<16xi32> to vector<16xi32>
      tpu.vector_store %arg8[%swap3A_194], %swap3A_197 {strides = array<i32>} : memref<12544xi32, #tpu.memory_space<vmem>>, vector<16xi32>,
      %mul3A_198 = arith.constant 128 : i32
      %mul3A_199 = arith.muli %add3A_129, %mul3A_198 : i32
      %add3A_200 = arith.constant 80 : i32
      %add3A_201 = arith.addi %mul3A_199, %add3A_200 : i32
      %get3A_202 = arith.index_cast %add3A_201 : i32 to index
      %get3A_203 = tpu.vector_load %arg7[%get3A_202] {strides = array<i32>} : memref<12544xi32, #tpu.memory_space<vmem>>, vector<16xi32>,
      %get3A_204 = vector.shape_cast %get3A_203 : vector<16xi32> to vector<16xi32>
      %add3A_205 = arith.constant 262144 : i32
      %add3A_206 = vector.broadcast %add3A_205 : i32 to vector<16xi32>
      %add3A_207 = arith.addi %get3A_204, %add3A_206 : vector<16xi32>
      %swap3A_208 = arith.index_cast %add3A_201 : i32 to index
      %swap3A_209 = tpu.vector_load %arg8[%swap3A_208] {strides = array<i32>} : memref<12544xi32, #tpu.memory_space<vmem>>, vector<16xi32>,
      %swap3A_210 = vector.shape_cast %swap3A_209 : vector<16xi32> to vector<16xi32>
      %swap3A_211 = vector.shape_cast %add3A_207 : vector<16xi32> to vector<16xi32>
      tpu.vector_store %arg8[%swap3A_208], %swap3A_211 {strides = array<i32>} : memref<12544xi32, #tpu.memory_space<vmem>>, vector<16xi32>,
      %mul3A_212 = arith.constant 128 : i32
      %mul3A_213 = arith.muli %add3A_129, %mul3A_212 : i32
      %add3A_214 = arith.constant 96 : i32
      %add3A_215 = arith.addi %mul3A_213, %add3A_214 : i32
      %get3A_216 = arith.index_cast %add3A_215 : i32 to index
      %get3A_217 = tpu.vector_load %arg7[%get3A_216] {strides = array<i32>} : memref<12544xi32, #tpu.memory_space<vmem>>, vector<16xi32>,
      %get3A_218 = vector.shape_cast %get3A_217 : vector<16xi32> to vector<16xi32>
      %add3A_219 = arith.constant 262144 : i32
      %add3A_220 = vector.broadcast %add3A_219 : i32 to vector<16xi32>
      %add3A_221 = arith.addi %get3A_218, %add3A_220 : vector<16xi32>
      %swap3A_222 = arith.index_cast %add3A_215 : i32 to index
      %swap3A_223 = tpu.vector_load %arg8[%swap3A_222] {strides = array<i32>} : memref<12544xi32, #tpu.memory_space<vmem>>, vector<16xi32>,
      %swap3A_224 = vector.shape_cast %swap3A_223 : vector<16xi32> to vector<16xi32>
      %swap3A_225 = vector.shape_cast %add3A_221 : vector<16xi32> to vector<16xi32>
      tpu.vector_store %arg8[%swap3A_222], %swap3A_225 {strides = array<i32>} : memref<12544xi32, #tpu.memory_space<vmem>>, vector<16xi32>,
      %mul3A_226 = arith.constant 128 : i32
      %mul3A_227 = arith.muli %add3A_129, %mul3A_226 : i32
      %add3A_228 = arith.constant 112 : i32
      %add3A_229 = arith.addi %mul3A_227, %add3A_228 : i32
      %get3A_230 = arith.index_cast %add3A_229 : i32 to index
      %get3A_231 = tpu.vector_load %arg7[%get3A_230] {strides = array<i32>} : memref<12544xi32, #tpu.memory_space<vmem>>, vector<16xi32>,
      %get3A_232 = vector.shape_cast %get3A_231 : vector<16xi32> to vector<16xi32>
      %add3A_233 = arith.constant 262144 : i32
      %add3A_234 = vector.broadcast %add3A_233 : i32 to vector<16xi32>
      %add3A_235 = arith.addi %get3A_232, %add3A_234 : vector<16xi32>
      %swap3A_236 = arith.index_cast %add3A_229 : i32 to index
      %swap3A_237 = tpu.vector_load %arg8[%swap3A_236] {strides = array<i32>} : memref<12544xi32, #tpu.memory_space<vmem>>, vector<16xi32>,
      %swap3A_238 = vector.shape_cast %swap3A_237 : vector<16xi32> to vector<16xi32>
      %swap3A_239 = vector.shape_cast %add3A_235 : vector<16xi32> to vector<16xi32>
      tpu.vector_store %arg8[%swap3A_236], %swap3A_239 {strides = array<i32>} : memref<12544xi32, #tpu.memory_space<vmem>>, vector<16xi32>,
    }
    %scan3A_100 = arith.constant 98 : i32
    %dma_wait3A_101 = tpu.memref_slice %arg2[%add3A] : memref<1204224xf32, #tpu.memory_space<hbm>> -> memref<12544xf32, #tpu.memory_space<hbm>>
    %dma_wait3A_102 = tpu.memref_slice %arg2[%add3A] : memref<1204224xf32, #tpu.memory_space<hbm>> -> memref<12544xf32, #tpu.memory_space<hbm>>
    tpu.wait_dma2 semaphore(%arg12 : memref<!tpu.dma_semaphore, #tpu.memory_space<semaphore_mem>>) src(%dma_wait3A_102 : memref<12544xf32, #tpu.memory_space<hbm>>) dst(%arg9 : memref<12544xf32, #tpu.memory_space<vmem>>)
    "tpu.region"() ({
      %run_scoped3A = tpu.sem_alloc : memref<!tpu.dma_semaphore, #tpu.memory_space<semaphore_mem>>
      %dma_start3A_125 = arith.constant 0 : i32
      %dma_start3A_126 = tpu.memref_slice %arg5[%dma_start3A_125] : memref<786432xf32, #tpu.memory_space<vmem_shared>> -> memref<786432xf32, #tpu.memory_space<vmem_shared>>
      tpu.enqueue_indirect_dma source(%arg9 : memref<12544xf32, #tpu.memory_space<vmem>>) target(%dma_start3A_126 : memref<786432xf32, #tpu.memory_space<vmem_shared>>) offsets(%arg7 : memref<12544xi32, #tpu.memory_space<vmem>>) semaphore(%run_scoped3A : memref<!tpu.dma_semaphore, #tpu.memory_space<semaphore_mem>>) {add = true}
      %dma_wait3A_127 = arith.constant 0 : i32
      %dma_wait3A_128 = tpu.memref_slice %arg5[%dma_wait3A_127] : memref<786432xf32, #tpu.memory_space<vmem_shared>> -> memref<786432xf32, #tpu.memory_space<vmem_shared>>
      tpu.wait_indirect_dma semaphore(%run_scoped3A : memref<!tpu.dma_semaphore, #tpu.memory_space<semaphore_mem>>) src(%arg9 : memref<12544xf32, #tpu.memory_space<vmem>>) dst(%dma_wait3A_128 : memref<786432xf32, #tpu.memory_space<vmem_shared>>)
      tpu.yield
    }) : () -> ()
    %add3A_103 = arith.constant 1 : i32
    %add3A_104 = arith.addi %mul3A_4, %add3A_103 : i32
    %add3A_105 = arith.constant 1 : i32
    %add3A_106 = arith.addi %add3A_104, %add3A_105 : i32
    %mul3A_107 = arith.constant 200704 : i32
    %mul3A_108 = arith.muli %add3A_106, %mul3A_107 : i32
    %add3A_109 = arith.addi %mul3A_108, %mul3A_0 : i32
    %dma_start3A_110 = tpu.memref_slice %arg2[%add3A_109] : memref<1204224xf32, #tpu.memory_space<hbm>> -> memref<12544xf32, #tpu.memory_space<hbm>>
    %dma_start3A_111 = tpu.memref_slice %arg2[%add3A_109] : memref<1204224xf32, #tpu.memory_space<hbm>> -> memref<12544xf32, #tpu.memory_space<hbm>>
    tpu.enqueue_dma source(%dma_start3A_111 : memref<12544xf32, #tpu.memory_space<hbm>>) target(%arg9 : memref<12544xf32, #tpu.memory_space<vmem>>) target_semaphore(%arg12 : memref<!tpu.dma_semaphore, #tpu.memory_space<semaphore_mem>>)
    %scan3A_112 = arith.constant 0 : i32
    %scan3A_113 = arith.constant 98 : i32
    %scan3A_114 = arith.addi %scan3A_112, %scan3A_113 : i32
    %scan3A_115 = arith.constant 1 : i32
    scf.for %scan3A_125 = %scan3A_112 to %scan3A_114 step %scan3A_115  : i32 {
      %mul3A_126 = arith.constant 1 : i32
      %mul3A_127 = arith.muli %scan3A_125, %mul3A_126 : i32
      %add3A_128 = arith.constant 0 : i32
      %add3A_129 = arith.addi %add3A_128, %mul3A_127 : i32
      %mul3A_130 = arith.constant 128 : i32
      %mul3A_131 = arith.muli %add3A_129, %mul3A_130 : i32
      %add3A_132 = arith.constant 0 : i32
      %add3A_133 = arith.addi %mul3A_131, %add3A_132 : i32
      %get3A = arith.index_cast %add3A_133 : i32 to index
      %get3A_134 = tpu.vector_load %arg8[%get3A] {strides = array<i32>} : memref<12544xi32, #tpu.memory_space<vmem>>, vector<16xi32>,
      %get3A_135 = vector.shape_cast %get3A_134 : vector<16xi32> to vector<16xi32>
      %add3A_136 = arith.constant 262144 : i32
      %add3A_137 = vector.broadcast %add3A_136 : i32 to vector<16xi32>
      %add3A_138 = arith.addi %get3A_135, %add3A_137 : vector<16xi32>
      %swap3A = arith.index_cast %add3A_133 : i32 to index
      %swap3A_139 = tpu.vector_load %arg7[%swap3A] {strides = array<i32>} : memref<12544xi32, #tpu.memory_space<vmem>>, vector<16xi32>,
      %swap3A_140 = vector.shape_cast %swap3A_139 : vector<16xi32> to vector<16xi32>
      %swap3A_141 = vector.shape_cast %add3A_138 : vector<16xi32> to vector<16xi32>
      tpu.vector_store %arg7[%swap3A], %swap3A_141 {strides = array<i32>} : memref<12544xi32, #tpu.memory_space<vmem>>, vector<16xi32>,
      %mul3A_142 = arith.constant 128 : i32
      %mul3A_143 = arith.muli %add3A_129, %mul3A_142 : i32
      %add3A_144 = arith.constant 16 : i32
      %add3A_145 = arith.addi %mul3A_143, %add3A_144 : i32
      %get3A_146 = arith.index_cast %add3A_145 : i32 to index
      %get3A_147 = tpu.vector_load %arg8[%get3A_146] {strides = array<i32>} : memref<12544xi32, #tpu.memory_space<vmem>>, vector<16xi32>,
      %get3A_148 = vector.shape_cast %get3A_147 : vector<16xi32> to vector<16xi32>
      %add3A_149 = arith.constant 262144 : i32
      %add3A_150 = vector.broadcast %add3A_149 : i32 to vector<16xi32>
      %add3A_151 = arith.addi %get3A_148, %add3A_150 : vector<16xi32>
      %swap3A_152 = arith.index_cast %add3A_145 : i32 to index
      %swap3A_153 = tpu.vector_load %arg7[%swap3A_152] {strides = array<i32>} : memref<12544xi32, #tpu.memory_space<vmem>>, vector<16xi32>,
      %swap3A_154 = vector.shape_cast %swap3A_153 : vector<16xi32> to vector<16xi32>
      %swap3A_155 = vector.shape_cast %add3A_151 : vector<16xi32> to vector<16xi32>
      tpu.vector_store %arg7[%swap3A_152], %swap3A_155 {strides = array<i32>} : memref<12544xi32, #tpu.memory_space<vmem>>, vector<16xi32>,
      %mul3A_156 = arith.constant 128 : i32
      %mul3A_157 = arith.muli %add3A_129, %mul3A_156 : i32
      %add3A_158 = arith.constant 32 : i32
      %add3A_159 = arith.addi %mul3A_157, %add3A_158 : i32
      %get3A_160 = arith.index_cast %add3A_159 : i32 to index
      %get3A_161 = tpu.vector_load %arg8[%get3A_160] {strides = array<i32>} : memref<12544xi32, #tpu.memory_space<vmem>>, vector<16xi32>,
      %get3A_162 = vector.shape_cast %get3A_161 : vector<16xi32> to vector<16xi32>
      %add3A_163 = arith.constant 262144 : i32
      %add3A_164 = vector.broadcast %add3A_163 : i32 to vector<16xi32>
      %add3A_165 = arith.addi %get3A_162, %add3A_164 : vector<16xi32>
      %swap3A_166 = arith.index_cast %add3A_159 : i32 to index
      %swap3A_167 = tpu.vector_load %arg7[%swap3A_166] {strides = array<i32>} : memref<12544xi32, #tpu.memory_space<vmem>>, vector<16xi32>,
      %swap3A_168 = vector.shape_cast %swap3A_167 : vector<16xi32> to vector<16xi32>
      %swap3A_169 = vector.shape_cast %add3A_165 : vector<16xi32> to vector<16xi32>
      tpu.vector_store %arg7[%swap3A_166], %swap3A_169 {strides = array<i32>} : memref<12544xi32, #tpu.memory_space<vmem>>, vector<16xi32>,
      %mul3A_170 = arith.constant 128 : i32
      %mul3A_171 = arith.muli %add3A_129, %mul3A_170 : i32
      %add3A_172 = arith.constant 48 : i32
      %add3A_173 = arith.addi %mul3A_171, %add3A_172 : i32
      %get3A_174 = arith.index_cast %add3A_173 : i32 to index
      %get3A_175 = tpu.vector_load %arg8[%get3A_174] {strides = array<i32>} : memref<12544xi32, #tpu.memory_space<vmem>>, vector<16xi32>,
      %get3A_176 = vector.shape_cast %get3A_175 : vector<16xi32> to vector<16xi32>
      %add3A_177 = arith.constant 262144 : i32
      %add3A_178 = vector.broadcast %add3A_177 : i32 to vector<16xi32>
      %add3A_179 = arith.addi %get3A_176, %add3A_178 : vector<16xi32>
      %swap3A_180 = arith.index_cast %add3A_173 : i32 to index
      %swap3A_181 = tpu.vector_load %arg7[%swap3A_180] {strides = array<i32>} : memref<12544xi32, #tpu.memory_space<vmem>>, vector<16xi32>,
      %swap3A_182 = vector.shape_cast %swap3A_181 : vector<16xi32> to vector<16xi32>
      %swap3A_183 = vector.shape_cast %add3A_179 : vector<16xi32> to vector<16xi32>
      tpu.vector_store %arg7[%swap3A_180], %swap3A_183 {strides = array<i32>} : memref<12544xi32, #tpu.memory_space<vmem>>, vector<16xi32>,
      %mul3A_184 = arith.constant 128 : i32
      %mul3A_185 = arith.muli %add3A_129, %mul3A_184 : i32
      %add3A_186 = arith.constant 64 : i32
      %add3A_187 = arith.addi %mul3A_185, %add3A_186 : i32
      %get3A_188 = arith.index_cast %add3A_187 : i32 to index
      %get3A_189 = tpu.vector_load %arg8[%get3A_188] {strides = array<i32>} : memref<12544xi32, #tpu.memory_space<vmem>>, vector<16xi32>,
      %get3A_190 = vector.shape_cast %get3A_189 : vector<16xi32> to vector<16xi32>
      %add3A_191 = arith.constant 262144 : i32
      %add3A_192 = vector.broadcast %add3A_191 : i32 to vector<16xi32>
      %add3A_193 = arith.addi %get3A_190, %add3A_192 : vector<16xi32>
      %swap3A_194 = arith.index_cast %add3A_187 : i32 to index
      %swap3A_195 = tpu.vector_load %arg7[%swap3A_194] {strides = array<i32>} : memref<12544xi32, #tpu.memory_space<vmem>>, vector<16xi32>,
      %swap3A_196 = vector.shape_cast %swap3A_195 : vector<16xi32> to vector<16xi32>
      %swap3A_197 = vector.shape_cast %add3A_193 : vector<16xi32> to vector<16xi32>
      tpu.vector_store %arg7[%swap3A_194], %swap3A_197 {strides = array<i32>} : memref<12544xi32, #tpu.memory_space<vmem>>, vector<16xi32>,
      %mul3A_198 = arith.constant 128 : i32
      %mul3A_199 = arith.muli %add3A_129, %mul3A_198 : i32
      %add3A_200 = arith.constant 80 : i32
      %add3A_201 = arith.addi %mul3A_199, %add3A_200 : i32
      %get3A_202 = arith.index_cast %add3A_201 : i32 to index
      %get3A_203 = tpu.vector_load %arg8[%get3A_202] {strides = array<i32>} : memref<12544xi32, #tpu.memory_space<vmem>>, vector<16xi32>,
      %get3A_204 = vector.shape_cast %get3A_203 : vector<16xi32> to vector<16xi32>
      %add3A_205 = arith.constant 262144 : i32
      %add3A_206 = vector.broadcast %add3A_205 : i32 to vector<16xi32>
      %add3A_207 = arith.addi %get3A_204, %add3A_206 : vector<16xi32>
      %swap3A_208 = arith.index_cast %add3A_201 : i32 to index
      %swap3A_209 = tpu.vector_load %arg7[%swap3A_208] {strides = array<i32>} : memref<12544xi32, #tpu.memory_space<vmem>>, vector<16xi32>,
      %swap3A_210 = vector.shape_cast %swap3A_209 : vector<16xi32> to vector<16xi32>
      %swap3A_211 = vector.shape_cast %add3A_207 : vector<16xi32> to vector<16xi32>
      tpu.vector_store %arg7[%swap3A_208], %swap3A_211 {strides = array<i32>} : memref<12544xi32, #tpu.memory_space<vmem>>, vector<16xi32>,
      %mul3A_212 = arith.constant 128 : i32
      %mul3A_213 = arith.muli %add3A_129, %mul3A_212 : i32
      %add3A_214 = arith.constant 96 : i32
      %add3A_215 = arith.addi %mul3A_213, %add3A_214 : i32
      %get3A_216 = arith.index_cast %add3A_215 : i32 to index
      %get3A_217 = tpu.vector_load %arg8[%get3A_216] {strides = array<i32>} : memref<12544xi32, #tpu.memory_space<vmem>>, vector<16xi32>,
      %get3A_218 = vector.shape_cast %get3A_217 : vector<16xi32> to vector<16xi32>
      %add3A_219 = arith.constant 262144 : i32
      %add3A_220 = vector.broadcast %add3A_219 : i32 to vector<16xi32>
      %add3A_221 = arith.addi %get3A_218, %add3A_220 : vector<16xi32>
      %swap3A_222 = arith.index_cast %add3A_215 : i32 to index
      %swap3A_223 = tpu.vector_load %arg7[%swap3A_222] {strides = array<i32>} : memref<12544xi32, #tpu.memory_space<vmem>>, vector<16xi32>,
      %swap3A_224 = vector.shape_cast %swap3A_223 : vector<16xi32> to vector<16xi32>
      %swap3A_225 = vector.shape_cast %add3A_221 : vector<16xi32> to vector<16xi32>
      tpu.vector_store %arg7[%swap3A_222], %swap3A_225 {strides = array<i32>} : memref<12544xi32, #tpu.memory_space<vmem>>, vector<16xi32>,
      %mul3A_226 = arith.constant 128 : i32
      %mul3A_227 = arith.muli %add3A_129, %mul3A_226 : i32
      %add3A_228 = arith.constant 112 : i32
      %add3A_229 = arith.addi %mul3A_227, %add3A_228 : i32
      %get3A_230 = arith.index_cast %add3A_229 : i32 to index
      %get3A_231 = tpu.vector_load %arg8[%get3A_230] {strides = array<i32>} : memref<12544xi32, #tpu.memory_space<vmem>>, vector<16xi32>,
      %get3A_232 = vector.shape_cast %get3A_231 : vector<16xi32> to vector<16xi32>
      %add3A_233 = arith.constant 262144 : i32
      %add3A_234 = vector.broadcast %add3A_233 : i32 to vector<16xi32>
      %add3A_235 = arith.addi %get3A_232, %add3A_234 : vector<16xi32>
      %swap3A_236 = arith.index_cast %add3A_229 : i32 to index
      %swap3A_237 = tpu.vector_load %arg7[%swap3A_236] {strides = array<i32>} : memref<12544xi32, #tpu.memory_space<vmem>>, vector<16xi32>,
      %swap3A_238 = vector.shape_cast %swap3A_237 : vector<16xi32> to vector<16xi32>
      %swap3A_239 = vector.shape_cast %add3A_235 : vector<16xi32> to vector<16xi32>
      tpu.vector_store %arg7[%swap3A_236], %swap3A_239 {strides = array<i32>} : memref<12544xi32, #tpu.memory_space<vmem>>, vector<16xi32>,
    }
    %scan3A_116 = arith.constant 98 : i32
    %dma_wait3A_117 = tpu.memref_slice %arg2[%add3A_93] : memref<1204224xf32, #tpu.memory_space<hbm>> -> memref<12544xf32, #tpu.memory_space<hbm>>
    %dma_wait3A_118 = tpu.memref_slice %arg2[%add3A_93] : memref<1204224xf32, #tpu.memory_space<hbm>> -> memref<12544xf32, #tpu.memory_space<hbm>>
    tpu.wait_dma2 semaphore(%arg13 : memref<!tpu.dma_semaphore, #tpu.memory_space<semaphore_mem>>) src(%dma_wait3A_118 : memref<12544xf32, #tpu.memory_space<hbm>>) dst(%arg10 : memref<12544xf32, #tpu.memory_space<vmem>>)
    "tpu.region"() ({
      %run_scoped3A = tpu.sem_alloc : memref<!tpu.dma_semaphore, #tpu.memory_space<semaphore_mem>>
      %dma_start3A_125 = arith.constant 0 : i32
      %dma_start3A_126 = tpu.memref_slice %arg5[%dma_start3A_125] : memref<786432xf32, #tpu.memory_space<vmem_shared>> -> memref<786432xf32, #tpu.memory_space<vmem_shared>>
      tpu.enqueue_indirect_dma source(%arg10 : memref<12544xf32, #tpu.memory_space<vmem>>) target(%dma_start3A_126 : memref<786432xf32, #tpu.memory_space<vmem_shared>>) offsets(%arg8 : memref<12544xi32, #tpu.memory_space<vmem>>) semaphore(%run_scoped3A : memref<!tpu.dma_semaphore, #tpu.memory_space<semaphore_mem>>) {add = true}
      %dma_wait3A_127 = arith.constant 0 : i32
      %dma_wait3A_128 = tpu.memref_slice %arg5[%dma_wait3A_127] : memref<786432xf32, #tpu.memory_space<vmem_shared>> -> memref<786432xf32, #tpu.memory_space<vmem_shared>>
      tpu.wait_indirect_dma semaphore(%run_scoped3A : memref<!tpu.dma_semaphore, #tpu.memory_space<semaphore_mem>>) src(%arg10 : memref<12544xf32, #tpu.memory_space<vmem>>) dst(%dma_wait3A_128 : memref<786432xf32, #tpu.memory_space<vmem_shared>>)
      tpu.yield
    }) : () -> ()
    %dma_wait3A_119 = tpu.memref_slice %arg2[%add3A_109] : memref<1204224xf32, #tpu.memory_space<hbm>> -> memref<12544xf32, #tpu.memory_space<hbm>>
    %dma_wait3A_120 = tpu.memref_slice %arg2[%add3A_109] : memref<1204224xf32, #tpu.memory_space<hbm>> -> memref<12544xf32, #tpu.memory_space<hbm>>
    tpu.wait_dma2 semaphore(%arg12 : memref<!tpu.dma_semaphore, #tpu.memory_space<semaphore_mem>>) src(%dma_wait3A_120 : memref<12544xf32, #tpu.memory_space<hbm>>) dst(%arg9 : memref<12544xf32, #tpu.memory_space<vmem>>)
    "tpu.region"() ({
      %run_scoped3A = tpu.sem_alloc : memref<!tpu.dma_semaphore, #tpu.memory_space<semaphore_mem>>
      %dma_start3A_125 = arith.constant 0 : i32
      %dma_start3A_126 = tpu.memref_slice %arg5[%dma_start3A_125] : memref<786432xf32, #tpu.memory_space<vmem_shared>> -> memref<786432xf32, #tpu.memory_space<vmem_shared>>
      tpu.enqueue_indirect_dma source(%arg9 : memref<12544xf32, #tpu.memory_space<vmem>>) target(%dma_start3A_126 : memref<786432xf32, #tpu.memory_space<vmem_shared>>) offsets(%arg7 : memref<12544xi32, #tpu.memory_space<vmem>>) semaphore(%run_scoped3A : memref<!tpu.dma_semaphore, #tpu.memory_space<semaphore_mem>>) {add = true}
      %dma_wait3A_127 = arith.constant 0 : i32
      %dma_wait3A_128 = tpu.memref_slice %arg5[%dma_wait3A_127] : memref<786432xf32, #tpu.memory_space<vmem_shared>> -> memref<786432xf32, #tpu.memory_space<vmem_shared>>
      tpu.wait_indirect_dma semaphore(%run_scoped3A : memref<!tpu.dma_semaphore, #tpu.memory_space<semaphore_mem>>) src(%arg9 : memref<12544xf32, #tpu.memory_space<vmem>>) dst(%dma_wait3A_128 : memref<786432xf32, #tpu.memory_space<vmem_shared>>)
      tpu.yield
    }) : () -> ()
    %barrier3A_121 = arith.constant 0 : index
    tpu.barrier barrier_id(%barrier3A_121)
    %mul3A_122 = arith.constant 786432 : i32
    %mul3A_123 = arith.muli %arg0, %mul3A_122 : i32
    %add3A_124 = arith.addi %mul3A_123, %mul3A_2 : i32
    "tpu.region"() ({
      %run_scoped3A = tpu.sem_alloc : memref<!tpu.dma_semaphore, #tpu.memory_space<semaphore_mem>>
      %dma_start3A_125 = tpu.memref_slice %arg4[%add3A_124] : memref<1572864xf32, #tpu.memory_space<hbm>> -> memref<49152xf32, #tpu.memory_space<hbm>>
      %dma_start3A_126 = tpu.memref_slice %arg5[%mul3A_2] : memref<786432xf32, #tpu.memory_space<vmem_shared>> -> memref<49152xf32, #tpu.memory_space<vmem_shared>>
      tpu.enqueue_dma source(%dma_start3A_126 : memref<49152xf32, #tpu.memory_space<vmem_shared>>) target(%dma_start3A_125 : memref<49152xf32, #tpu.memory_space<hbm>>) target_semaphore(%run_scoped3A : memref<!tpu.dma_semaphore, #tpu.memory_space<semaphore_mem>>)
      %dma_wait3A_127 = tpu.memref_slice %arg4[%add3A_124] : memref<1572864xf32, #tpu.memory_space<hbm>> -> memref<49152xf32, #tpu.memory_space<hbm>>
      %dma_wait3A_128 = tpu.memref_slice %arg5[%mul3A_2] : memref<786432xf32, #tpu.memory_space<vmem_shared>> -> memref<49152xf32, #tpu.memory_space<vmem_shared>>
      tpu.wait_dma2 semaphore(%run_scoped3A : memref<!tpu.dma_semaphore, #tpu.memory_space<semaphore_mem>>) src(%dma_wait3A_128 : memref<49152xf32, #tpu.memory_space<vmem_shared>>) dst(%dma_wait3A_127 : memref<49152xf32, #tpu.memory_space<hbm>>)
      tpu.yield
    }) : () -> ()
    return
  }
}

module attributes {stable_mosaic.version = 14 : i64} {
  func.func @_tc_assemble_body(%arg0: i32, %arg1: memref<2048x128xf32, #tpu.memory_space<vmem>>, %arg2: memref<1x512x512xf32, #tpu.memory_space<vmem>>) attributes {dimension_semantics = [#tpu.dimension_semantics<arbitrary>], iteration_bounds = array<i64: 6>, scalar_prefetch = 0 : i64, scratch_operands = 0 : i64, tpu.core_type = #tpu.core_type<tc>, window_params = [{transform_indices = @transform_0, window_bounds = array<i64: 2048, 128>}, {transform_indices = @transform_1, window_bounds = array<i64: 1, 512, 512>}]} {
    %get3A = arith.constant 0 : index
    %get3A_0 = arith.constant 0 : index
    %get3A_1 = vector.load %arg1[%get3A, %get3A_0] : memref<2048x128xf32, #tpu.memory_space<vmem>>, vector<2048x128xf32>
    %reshape3A = vector.shape_cast %get3A_1 : vector<2048x128xf32> to vector<1x512x512xf32>
    %swap3A = arith.constant 0 : index
    %swap3A_2 = arith.constant 0 : index
    %swap3A_3 = arith.constant 0 : index
    %swap3A_4 = vector.load %arg2[%swap3A, %swap3A_2, %swap3A_3] : memref<1x512x512xf32, #tpu.memory_space<vmem>>, vector<1x512x512xf32>
    tpu.vector_store %arg2[%swap3A, %swap3A_2, %swap3A_3], %reshape3A {strides = array<i32>} : memref<1x512x512xf32, #tpu.memory_space<vmem>>, vector<1x512x512xf32>,
    return
  }
  func.func @transform_0(%arg0: i32) -> (i32, i32) {
    %c0_i32 = arith.constant 0 : i32
    %c0_i32_0 = arith.constant 0 : i32
    return %arg0, %c0_i32 : i32, i32
  }
  func.func @transform_1(%arg0: i32) -> (i32, i32, i32) {
    %c0_i32 = arith.constant 0 : i32
    %c0_i32_0 = arith.constant 0 : i32
    %c0_i32_1 = arith.constant 0 : i32
    return %arg0, %c0_i32, %c0_i32_0 : i32, i32, i32
  }
}

</mosaic_0001>

<sc_bundles>
// kernel: kernel.4.cloned.1.call-start
scs
__scs_entry_jumppad:
0x0: {  	(pc) =	sbr.rel $0x88, $3  }
0x1: {  	(tag) =	ssettag $0x0;
	lr =	simm.s32 $0x1  }
0x2: {  	[smem:$0x3F9F] =	sst lr;
	_ =	strace $0xD0000000  }
0x3: {  	_ = 	snop  }
0x4: {  	_ = 	snop  }
0x5: {  	_ = 	snop  }
0x6: {  	_ = 	snop  }
0x7: {  	_ = 	snop  }
__scs_overlays_trampoline_lowered:
0x8: {  	[smem:$0x3FAE] =	sst s0  }
0x9: {  	[smem:$0x3FAF] =	sst s1  }
0xa: {  	[smem:$0x3FB0] =	sst s2  }
0xb: {  	[smem:$0x3FB1] =	sst s3  }
0xc: {  	[smem:$0x3FB2] =	sst s4  }
0xd: {  	[smem:$0x3FB3] =	sst s5  }
0xe: {  	[smem:$0x3FB4] =	sst s6  }
0xf: {  	[smem:$0x3FB5] =	sst s7  }
0x10: {  	[smem:$0x3FB6] =	sst s8  }
0x11: {  	[smem:$0x3FB7] =	sst s9;
	s0 =	simm.s32 @!p0 $0x0  }
0x12: {  	s1 =	sld [smem:$0x3F9D];
	s0 =	simm.s32 @p0 $0x1  }
0x13: {  	[smem:$0x3FB8] =	sst s0;
	s0 =	simm.s32 @!p1 $0x0  }
0x14: {  	s2 =	sld [smem:$0x3F9C];
	s0 =	simm.s32 @p1 $0x1  }
0x15: {  	[smem:$0x3FB9] =	sst s0;
	s0 =	simm.s32 @!p2 $0x0  }
0x16: {  	s3 =	sld [smem:$0x3FDB];
	s0 =	simm.s32 @p2 $0x1  }
0x17: {  	s4 =	simm.s32 $0x1BF5;
	[smem:$0x3FBB] =	sst s0  }
0x18: {  	s0 =	sld [smem:$0x3F9E];
	_ =	swait.ge [sflag:s4], $0x0  }
0x19: {  	s7 =	sld [smem:$0x3F9F]  }
0x1a: {  	s8 =	sadd.s32 $0xFFFFE003, lr  }
0x1b: {  	s9 =	sadd.s32 $0xFFFFFEF7, lr;
	s5 =	simm.s32 $0xFFFFFFFF;
	p2 =	slt.u32 s8, $0xFFFFF086  }
0x1c: {  	p1 =	slt.u32 s9, $0xF7A;
	s5 =	simm.s32 @!p2 $0x0  }
0x1d: {  	s5 =	simm.s32 @p1 $0x1;
	p0 =	seq.s32 s7, s2  }
0x1e: {  	s7 =	smul.u32 @!p0 $0xF7A, s2;
	p2 =	seq.s32 @!p0 s5, $0x0  }
0x1f: {  	s9 =	smul.u32 $0xF7A, s1;
	s8 =	simm.s32 @!p0 $0x1BF5;
	p2 =	por !p2, p0  }
0x20: {  	[sflag:s8] =	ssyncset.s32 @!p0 $0xFFFFF086;
	s6 =	sadd.s32 @!p0 s3, s7;
	s7 =	simm.s32 @!p0 $0x108  }
0x21: {  	s3 =	sadd.s32 s3, s9;
	s6 =	sadd.s32 @!p0 $0x88, s6;
	s7 =	simm.s32 @p2 $0x1082  }
0x22: {  	[simem:s7], [sflag:s8] =	dma.local @!p0 [hbm:s6], $0xF7A  }
0x23: {  	s9 =	sor.u32 $0xD0000000, s2;
	s6 =	simm.s32 $0x108;
	_ =	swait.ge @!p0 [sflag:s8], $0x0  }
0x24: {  	s3 =	sadd.s32 $0x88, s3;
	s6 =	simm.s32 @!p1 $0x1082;
	[sflag:s4] =	ssyncset.s32 $0xFFFFF086  }
0x25: {  	[simem:s6], [sflag:s4] =	dma.local [hbm:s3], $0xF7A  }
0x26: {  	[smem:$0x3F9F] =	sst s1;
	(tag) =	ssettag s2;
	_ =	strace s9  }
0x27: {  	s1 =	sld [smem:$0x3FAF]  }
0x28: {  	s2 =	sld [smem:$0x3FB0]  }
0x29: {  	s4 =	sld [smem:$0x3FB2]  }
0x2a: {  	p0 =	seq.s32 s5, $0x0;
	s5 =	sld [smem:$0x3FB3]  }
0x2b: {  	s6 =	sld [smem:$0x3FB4]  }
0x2c: {  	s7 =	sld [smem:$0x3FB5]  }
0x2d: {  	s3 =	simm.s32 $0x108;
	s8 =	sld [smem:$0x3FB6]  }
0x2e: {  	s3 =	simm.s32 @!p0 $0x1082;
	s9 =	sld [smem:$0x3FB7]  }
0x2f: {  	lr =	sadd.s32 s0, s3;
	s0 =	sld [smem:$0x3FAE]  }
0x30: {  	s3 =	sld [smem:$0x3FB1]  }
0x31: {  	[smem:$0x3FBA] =	sst s10  }
0x32: {  	s10 =	sld [smem:$0x3FB8];
	_ =	sdelay $0x3  }
0x33: {  	p0 =	seq.s32 s10, $0x1;
	s10 =	sld [smem:$0x3FBA];
	_ =	sdelay $0x3  }
0x34: {  	[smem:$0x3FBA] =	sst s10  }
0x35: {  	s10 =	sld [smem:$0x3FB9];
	_ =	sdelay $0x3  }
0x36: {  	p1 =	seq.s32 s10, $0x1;
	s10 =	sld [smem:$0x3FBA];
	_ =	sdelay $0x3  }
0x37: {  	[smem:$0x3FBA] =	sst s10  }
0x38: {  	s10 =	sld [smem:$0x3FBB]  }
0x39: {  	_ = 	snop;
	(pc) =	sbr.ind lr, $3  }
0x3a: {  	_ = 	snop  }
0x3b: {  	_ = 	snop  }
0x3c: {  	p2 =	seq.s32 s10, $0x1;
	s10 =	sld [smem:$0x3FBA]  }
0x3d: {  	_ =	shalt  }
0x3e: {  	_ =	shalt  }
0x3f: {  	_ =	shalt  }
0x40: {  	_ =	shalt  }
0x41: {  	_ =	shalt  }
0x42: {  	_ =	shalt  }
0x43: {  	_ =	shalt  }
0x44: {  	_ =	shalt  }
0x45: {  	_ =	shalt  }
0x46: {  	_ =	shalt  }
0x47: {  	_ =	shalt  }
0x48: {  	_ =	shalt  }
0x49: {  	_ =	shalt  }
0x4a: {  	_ =	shalt  }
0x4b: {  	_ =	shalt  }
0x4c: {  	_ =	shalt  }
0x4d: {  	_ =	shalt  }
0x4e: {  	_ =	shalt  }
0x4f: {  	_ =	shalt  }
0x50: {  	_ =	shalt  }
0x51: {  	_ =	shalt  }
0x52: {  	_ =	shalt  }
0x53: {  	_ =	shalt  }
0x54: {  	_ =	shalt  }
0x55: {  	_ =	shalt  }
0x56: {  	_ =	shalt  }
0x57: {  	_ =	shalt  }
0x58: {  	_ =	shalt  }
0x59: {  	_ =	shalt  }
0x5a: {  	_ =	shalt  }
0x5b: {  	_ =	shalt  }
0x5c: {  	_ =	shalt  }
0x5d: {  	_ =	shalt  }
0x5e: {  	_ =	shalt  }
0x5f: {  	_ =	shalt  }
0x60: {  	_ =	shalt  }
0x61: {  	_ =	shalt  }
0x62: {  	_ =	shalt  }
0x63: {  	_ =	shalt  }
0x64: {  	_ =	shalt  }
0x65: {  	_ =	shalt  }
0x66: {  	_ =	shalt  }
0x67: {  	_ =	shalt  }
0x68: {  	_ =	shalt  }
0x69: {  	_ =	shalt  }
0x6a: {  	_ =	shalt  }
0x6b: {  	_ =	shalt  }
0x6c: {  	_ =	shalt  }
0x6d: {  	_ =	shalt  }
0x6e: {  	_ =	shalt  }
0x6f: {  	_ =	shalt  }
0x70: {  	_ =	shalt  }
0x71: {  	_ =	shalt  }
0x72: {  	_ =	shalt  }
0x73: {  	_ =	shalt  }
0x74: {  	_ =	shalt  }
0x75: {  	_ =	shalt  }
0x76: {  	_ =	shalt  }
0x77: {  	_ =	shalt  }
0x78: {  	_ =	shalt  }
0x79: {  	_ =	shalt  }
0x7a: {  	_ =	shalt  }
0x7b: {  	_ =	shalt  }
0x7c: {  	_ =	shalt  }
0x7d: {  	_ =	shalt  }
0x7e: {  	_ =	shalt  }
0x7f: {  	_ =	shalt  }
0x80: {  	_ =	shalt  }
0x81: {  	_ =	shalt  }
0x82: {  	_ =	shalt  }
0x83: {  	_ =	shalt  }
0x84: {  	_ =	shalt  }
0x85: {  	_ =	shalt  }
0x86: {  	_ =	shalt  }
0x87: {  	_ =	shalt  }
.Lfunc_end0:
.L_simem_size_0:
called_computation_lowered:
.L_overlay_start_0:
0x88: {  	s2 =	sld [smem:$0x3FD9]  }
0x89: {  	s3 =	sld [smem:$0x3FFE];
	_ =	sdelay $0x1  }
0x8a: {  	s1 =	srdreg.scid  }
0x8b: {  	s0 =	sand.u32 $0x1, s1  }
0x8c: {  	s17 =	sshll.u32 s0, $0xA;
	s2 =	sadd.s32 s3, s2  }
0x8d: {  	s2 =	sadd.s32 s2, s17  }
0x8e: {  	[smem:$0x3FC6] =	sst s2  }
0x8f: {  	_ = 	snop  }
0x90: {  	s2 =	sld [smem:$0x3FD0];
	(tm) =	ssettm $0x1  }
0x91: {  	s18 =	sld [smem:$0x3FFB];
	_ =	sdelay $0x3  }
0x92: {  	_ =	strace s18  }
0x93: {  	s3 =	sld [smem:$0x3FFC];
	_ =	sdelay $0x3  }
0x94: {  	_ =	strace s3  }
0x95: {  	s3 =	sld [smem:$0x3FFD];
	_ =	sdelay $0x3  }
0x96: {  	_ =	strace s3  }
0x97: {  	_ =	strace $0x8FFFFFFF  }
0x98: {  	s19 =	sld [smem:$0x3FDB];
	_ =	sdelay $0x1  }
0x99: {  	s4 =	simm.s32 $_scs_section_size  }
0x9a: {  	s5 =	simm.s32 $_size__tile_overlayer_lowered;
	s6 =	simm.s32 $_tile_overlayer_lowered  }
0x9b: {  	s22 =	simm.s32 $0x1BFF;
	s21 =	sshll.u32 s6, $0x1;
	s3 =	sadd.s32 s4, s19  }
0x9c: {  	s7 =	simm.s32 $0x0;
	s20 =	sshll.u32 s5, $0x1;
	s5 =	sadd.s32 s21, s3  }
0x9d: {  	[timem:s7], [sflag:s22] =	dma.local [hbm:s5], s20  }
0x9e: {  	_ =	swait.ge [sflag:s22], s20  }
0x9f: {  	s4 =	ssub.s32 $0x0, s20;
	[sflag:s22] =	ssyncset.done $0x0  }
0xa0: {  	[sflag:s22] =	ssyncadd.s32 s4;
	_ =	sdelay $0x1  }
0xa1: {  	s23 =	simm.s32 $0x1B8B  }
0xa2: {  	_ =	swait.ge [sflag:s23], $0x1  }
0xa3: {  	[sflag:s23] =	ssyncset.done $0x0  }
0xa4: {  	s25 =	simm.s32 $0x1B8E;
	s24 =	sld [smem:$0x3FFE];
	[sflag:s23] =	ssyncadd.s32 $0xFFFFFFFF  }
0xa5: {  	s26 =	simm.s32 $execute0_lowered;
	[smem:$0x3FD2] =	sst s25  }
0xa6: {  	s5 =	sshll.u32 s26, $0x1;
	_ =	strace $0x80000046;
	[dreg:$0x1] =	wrdreg $0xFFFFFFFF  }
0xa7: {  	s28 =	simm.s32 $_size_execute0_lowered;
	s3 =	sadd.s32 s3, s5;
	[dreg:$0x0] =	wrdreg $0x0  }
0xa8: {  	s5 =	sshll.u32 s28, $0x1;
	[dreg:$0x2] =	wrdreg s3  }
0xa9: {  	[dreg:$0x3] =	wrdreg s5  }
0xaa: {  	[dreg:$0x4] =	wrdreg $0xC0  }
0xab: {  	_ =	task [dreg:s7], $0x5FFFF  }
0xac: {  	[dreg:$0x1] =	wrdreg $0xFFFFFFFF  }
0xad: {  	[dreg:$0x0] =	wrdreg $0x60  }
0xae: {  	[dreg:$0x2] =	wrdreg s24  }
0xaf: {  	[dreg:$0x3] =	wrdreg s2  }
0xb0: {  	[dreg:$0x4] =	wrdreg $0x0  }
0xb1: {  	[dreg:$0x5] =	wrdreg $0x9  }
0xb2: {  	_ =	task.clear_ibuf [dreg:s7], $0x6FFFF;
	_ =	strace $0x90000046  }
0xb3: {  	s29 =	simm.s32 $0x9;
	_ =	strace $0x80000048  }
0xb4: {  	_ =	swait.ge [sflag:s29], $0x1  }
0xb5: {  	[sflag:s29] =	ssyncadd.s32 $0xFFFFFFFF  }
0xb6: {  	_ =	strace $0x90000048  }
0xb7: {  	_ =	sfence  }
0xb8: {  	s30 =	sld [smem:$0x0];
	_ =	sdelay $0x2  }
0xb9: {  	s31 =	sshll.u32 s1, $0xD;
	s1 =	sshrl.u32 s1, $0x2  }
0xba: {  	s3 =	sand.u32 $0x4000, s31;
	s1 =	sadd.s32 s1, s30  }
0xbb: {  	s0 =	sor.u32 s3, s0;
	s1 =	sshll.u32 s1, $0x11  }
0xbc: {  	s0 =	sor.u32 s1, s0  }
0xbd: {  	s0 =	sadd.s32 $0x8F2B, s0  }
0xbe: {  	[sflag:s0] =	ssyncadd.remote.s32 $0x1  }
0xbf: {  	_ =	sfence.sel $0xFFFF  }
0xc0: {  	[dreg:$0x0] =	wrdreg $0xFFFFFFFF;
	(pc) =	sbr.abs _section_cstart, $3  }
0xc1: {  	[dreg:$0x1] =	wrdreg $0xFFFFFFFF  }
0xc2: {  	_ =	task.clear_ibuf [dreg:s7], $0x2FFFF;
	_ =	strace $0x9FFFFFFF  }
0xc3: {  	(tm) =	ssettm $0x7FFFFFFF  }
tec
execute0_lowered:
.L_overlay_start_1:
0x0: {  	(tag) =	ssettag $0x1  }
0x1: {  	s0 =	rddreg [dreg:$0x0]  }
0x2: {  	s1 =	rddreg [dreg:$0x1];
	s3 =	srdreg.scid  }
0x3: {  	s7 =	stileid.u32;
	s2 =	rddreg [dreg:$0x2];
	s6 =	simm.s32 $0x0  }
0x4: {  	s22 =	simm.s32 $0xD000;
	s23 =	simm.s32 $0x13200;
	s28 =	simm.s32 $0x16300  }
0x5: {  	s29 =	simm.s32 $0x2;
	s30 =	simm.s32 $0x3100;
	s4 =	smul.u32 $0x3100, s7  }
0x6: {  	s31 =	simm.s32 $0x4;
	s3 =	sand.u32 $0x1, s3;
	s16 =	smul.u32 $0xC000, s7  }
0x7: {  	[smem:$0x7FF] =	sst s6;
	s5 =	smul.u32 $0x93000, s3;
	s24 =	ssub.s32 $0x2, s3  }
0x8: {  	_ =	strace $0x80000047;
	s26 =	smul.u32 $0xC0000, s3;
	s25 =	sshrl.u32 s24, $0x1  }
0x9: {  	s5 =	sadd.s32 s4, s5;
	s4 =	sshrl.u32 s4, $0x3;
	s21 =	ssub.s32 s24, s25  }
0xa: {  	s24 =	simm.s32 $0xC000;
	s25 =	simm.s32 $0x1;
	s5 =	sshrl.u32 s5, $0x3  }
0xb: {  	s21 =	smax.u32 s21, $0x1;
	s19 =	sadd.s32 s5, s0;
	s0 =	sadd.s32 s0, s4  }
0xc: {  	s5 =	sadd.s32 s16, s2;
	[dreg:$0x4] =	wrdreg s0;
	s6 =	sadd.s32 $0x6200, s19  }
0xd: {  	s7 =	sadd.s32 $0x1000, s5;
	s8 =	sadd.s32 $0x2000, s5;
	s9 =	sadd.s32 $0x3000, s5  }
0xe: {  	s10 =	sadd.s32 $0x4000, s5;
	s11 =	sadd.s32 $0x5000, s5;
	s12 =	sadd.s32 $0x6000, s5  }
0xf: {  	s13 =	sadd.s32 $0x7000, s5;
	s14 =	sadd.s32 $0x8000, s5;
	s15 =	sadd.s32 $0x9000, s5  }
0x10: {  	s0 =	sadd.s32 s16, s26;
	s16 =	sadd.s32 $0xA000, s5;
	s17 =	sadd.s32 $0xB000, s5  }
0x11: {  	s18 =	sadd.s32 $0xC400, s19;
	s19 =	sadd.s32 $0x12600, s19;
	s0 =	sshrl.u32 s0, $0x3  }
0x12: {  	v0 =	vimm.f32 $0.0e+00;
	s26 =	simm.s32 $0x3;
	s20 =	sadd.s32 s1, s0;
	s0 =	simm.s32 $0x0  }
.LBB2_1:
0x13: {  	s1 =	simm.s32 $0x0;
	s3 =	rddreg [dreg:$0x4]  }
0x14: {  	[tilespmem:s22], [sflag:$0x3] =	stream.linear.gather [hbm4b:s3+s1], $0x3100, $0x38;
	[tilespmem:$0x19400] =	vst v63  }
0x15: {  	_ = 	snop  }
0x16: {  	[tilespmem:s23], [sflag:$0x2] =	stream.linear.gather [hbm4b:s6+s1], $0x3100, $0x38;
	[tilespmem:$0x19400] =	vst v63  }
0x17: {  	s3 =	simm.s32 $0x0;
	s1 =	simm.s32 $0x40  }
.LBB2_2:
0x18: {  	p0 =	sne.s32 s1, $0x3FC0;
	[tilespmem:s3+$0xC000] =	vst v0;
	s3 =	smov.u32 s1;
	s1 =	sadd.s32 $0x40, s1  }
.Ltmp0:
0x19: {  	(pc) =	sbr.rel @p0 .LBB2_2-.Ltmp0, $2  }
0x1a: {  	_ =	sdelay $0x2  }
0x1b: {  	s3 =	sshra.s32 s3, $0x2  }
0x1c: {  	[tilespmem:s3+$0xC000] =	vst v0  }
0x1d: {  	[spmem:s5] =	stream.linear.scatter [tilespmem:s24], [sflag:$0x1], $0x1000, $0x38;
	[tilespmem:$0x19400] =	vst v63  }
0x1e: {  	_ = 	snop  }
0x1f: {  	[spmem:s7] =	stream.linear.scatter [tilespmem:s24], [sflag:$0x1], $0x1000, $0x38;
	[tilespmem:$0x19400] =	vst v63  }
0x20: {  	_ = 	snop  }
0x21: {  	[spmem:s8] =	stream.linear.scatter [tilespmem:s24], [sflag:$0x1], $0x1000, $0x38;
	[tilespmem:$0x19400] =	vst v63  }
0x22: {  	_ = 	snop  }
0x23: {  	[spmem:s9] =	stream.linear.scatter [tilespmem:s24], [sflag:$0x1], $0x1000, $0x38;
	[tilespmem:$0x19400] =	vst v63  }
0x24: {  	_ = 	snop  }
0x25: {  	[spmem:s10] =	stream.linear.scatter [tilespmem:s24], [sflag:$0x1], $0x1000, $0x38;
	[tilespmem:$0x19400] =	vst v63  }
0x26: {  	_ = 	snop  }
0x27: {  	[spmem:s11] =	stream.linear.scatter [tilespmem:s24], [sflag:$0x1], $0x1000, $0x38;
	[tilespmem:$0x19400] =	vst v63  }
0x28: {  	_ = 	snop  }
0x29: {  	[spmem:s12] =	stream.linear.scatter [tilespmem:s24], [sflag:$0x1], $0x1000, $0x38;
	[tilespmem:$0x19400] =	vst v63  }
0x2a: {  	_ = 	snop  }
0x2b: {  	[spmem:s13] =	stream.linear.scatter [tilespmem:s24], [sflag:$0x1], $0x1000, $0x38;
	[tilespmem:$0x19400] =	vst v63  }
0x2c: {  	_ = 	snop  }
0x2d: {  	[spmem:s14] =	stream.linear.scatter [tilespmem:s24], [sflag:$0x1], $0x1000, $0x38;
	[tilespmem:$0x19400] =	vst v63  }
0x2e: {  	_ = 	snop  }
0x2f: {  	[spmem:s15] =	stream.linear.scatter [tilespmem:s24], [sflag:$0x1], $0x1000, $0x38;
	[tilespmem:$0x19400] =	vst v63  }
0x30: {  	_ = 	snop  }
0x31: {  	[spmem:s16] =	stream.linear.scatter [tilespmem:s24], [sflag:$0x1], $0x1000, $0x38;
	[tilespmem:$0x19400] =	vst v63  }
0x32: {  	_ = 	snop  }
0x33: {  	[spmem:s17] =	stream.linear.scatter [tilespmem:s24], [sflag:$0x1], $0x1000, $0x38;
	[tilespmem:$0x19400] =	vst v63  }
0x34: {  	_ =	swait.ge [sflag:s25], $0x1000  }
0x35: {  	[sflag:s25] =	ssyncset.done $0x0  }
0x36: {  	[sflag:s25] =	ssyncadd.s32 $0xFFFFF000  }
0x37: {  	_ =	swait.ge [sflag:s25], $0x1000  }
0x38: {  	[sflag:s25] =	ssyncset.done $0x0  }
0x39: {  	[sflag:s25] =	ssyncadd.s32 $0xFFFFF000  }
0x3a: {  	_ =	swait.ge [sflag:s25], $0x1000  }
0x3b: {  	[sflag:s25] =	ssyncset.done $0x0  }
0x3c: {  	[sflag:s25] =	ssyncadd.s32 $0xFFFFF000  }
0x3d: {  	_ =	swait.ge [sflag:s25], $0x1000  }
0x3e: {  	[sflag:s25] =	ssyncset.done $0x0  }
0x3f: {  	[sflag:s25] =	ssyncadd.s32 $0xFFFFF000  }
0x40: {  	_ =	swait.ge [sflag:s25], $0x1000  }
0x41: {  	[sflag:s25] =	ssyncset.done $0x0  }
0x42: {  	[sflag:s25] =	ssyncadd.s32 $0xFFFFF000  }
0x43: {  	_ =	swait.ge [sflag:s25], $0x1000  }
0x44: {  	[sflag:s25] =	ssyncset.done $0x0  }
0x45: {  	[sflag:s25] =	ssyncadd.s32 $0xFFFFF000  }
0x46: {  	_ =	swait.ge [sflag:s25], $0x1000  }
0x47: {  	[sflag:s25] =	ssyncset.done $0x0  }
0x48: {  	[sflag:s25] =	ssyncadd.s32 $0xFFFFF000  }
0x49: {  	_ =	swait.ge [sflag:s25], $0x1000  }
0x4a: {  	[sflag:s25] =	ssyncset.done $0x0  }
0x4b: {  	[sflag:s25] =	ssyncadd.s32 $0xFFFFF000  }
0x4c: {  	_ =	swait.ge [sflag:s25], $0x1000  }
0x4d: {  	[sflag:s25] =	ssyncset.done $0x0  }
0x4e: {  	[sflag:s25] =	ssyncadd.s32 $0xFFFFF000  }
0x4f: {  	_ =	swait.ge [sflag:s25], $0x1000  }
0x50: {  	[sflag:s25] =	ssyncset.done $0x0  }
0x51: {  	[sflag:s25] =	ssyncadd.s32 $0xFFFFF000  }
0x52: {  	_ =	swait.ge [sflag:s25], $0x1000  }
0x53: {  	[sflag:s25] =	ssyncset.done $0x0  }
0x54: {  	[sflag:s25] =	ssyncadd.s32 $0xFFFFF000  }
0x55: {  	_ =	swait.ge [sflag:s25], $0x1000  }
0x56: {  	[sflag:s25] =	ssyncset.done $0x0  }
0x57: {  	[sflag:s25] =	ssyncadd.s32 $0xFFFFF000  }
0x58: {  	_ =	swait.ge [sflag:s26], $0x3100  }
0x59: {  	[sflag:s26] =	ssyncset.done $0x0  }
0x5a: {  	[sflag:s26] =	ssyncadd.s32 $0xFFFFCF00  }
0x5b: {  	s1 =	simm.s32 $0x0;
	s3 =	simm.s32 $0x0;
	[bflag:$0x0] =	sbarrier.arrive $0xFFFF  }
0x5c: {  	[tilespmem:s28], [sflag:$0x3] =	stream.linear.gather [hbm4b:s18+s1], $0x3100, $0x38;
	[tilespmem:$0x19400] =	vst v63  }
0x5d: {  	v2 =	vld [tilespmem:s3+$0xD070]  }
0x5e: {  	v5 =	vld [tilespmem:s3+$0xD000]  }
0x5f: {  	v6 =	vld [tilespmem:s3+$0xD010]  }
0x60: {  	v4 =	vld [tilespmem:s3+$0xD020]  }
0x61: {  	v3 =	vld [tilespmem:s3+$0xD030]  }
0x62: {  	v1 =	vld [tilespmem:s3+$0xD040];
	v7 =	vadd.s32 $0x40000, v2  }
0x63: {  	v2 =	vld [tilespmem:s3+$0xD050];
	v5 =	vadd.s32 $0x40000, v5;
	[tilespmem:s3+$0x10170] =	vst v7  }
0x64: {  	s4 =	simm.s32 $0x400;
	s1 =	simm.s32 $0x80;
	v6 =	vadd.s32 $0x40000, v6;
	[tilespmem:s3+$0x10100] =	vst v5;
	v5 =	vld [tilespmem:s3+$0xD060]  }
.LBB2_4:
0x65: {  	p0 =	sne.s32 s4, $0xC200;
	v7 =	vld [tilespmem:s1+$0xD070];
	[tilespmem:s3+$0x10110] =	vst v6;
	v4 =	vadd.s32 $0x40000, v4  }
0x66: {  	v6 =	vld [tilespmem:s1+$0xD000];
	[tilespmem:s3+$0x10120] =	vst v4;
	v3 =	vadd.s32 $0x40000, v3  }
0x67: {  	v8 =	vld [tilespmem:s1+$0xD010];
	[tilespmem:s3+$0x10130] =	vst v3;
	v1 =	vadd.s32 $0x40000, v1  }
.Ltmp1:
0x68: {  	v4 =	vld [tilespmem:s1+$0xD020];
	[tilespmem:s3+$0x10140] =	vst v1;
	v1 =	vadd.s32 $0x40000, v2;
	(pc) =	sbr.rel @p0 .LBB2_4-.Ltmp1, $4  }
0x69: {  	v3 =	vld [tilespmem:s1+$0xD030];
	[tilespmem:s3+$0x10150] =	vst v1;
	v2 =	vadd.s32 $0x40000, v5  }
0x6a: {  	v1 =	vld [tilespmem:s1+$0xD040];
	v5 =	vadd.s32 $0x40000, v7;
	[tilespmem:s3+$0x10160] =	vst v2;
	s3 =	smov.u32 s1  }
0x6b: {  	v6 =	vadd.s32 $0x40000, v6;
	v2 =	vld [tilespmem:s3+$0xD050];
	[tilespmem:s3+$0x10170] =	vst v5  }
0x6c: {  	s1 =	sshra.s32 s4, $0x2;
	s4 =	sadd.s32 $0x200, s4;
	[tilespmem:s3+$0x10100] =	vst v6;
	v6 =	vadd.s32 $0x40000, v8;
	v5 =	vld [tilespmem:s3+$0xD060]  }
0x6d: {  	v7 =	vld [tilespmem:s1+$0xD070];
	[tilespmem:s3+$0x10110] =	vst v6;
	v4 =	vadd.s32 $0x40000, v4  }
0x6e: {  	v6 =	vld [tilespmem:s1+$0xD000];
	[tilespmem:s3+$0x10120] =	vst v4;
	v3 =	vadd.s32 $0x40000, v3  }
0x6f: {  	v4 =	vld [tilespmem:s1+$0xD010];
	[tilespmem:s3+$0x10130] =	vst v3;
	v1 =	vadd.s32 $0x40000, v1  }
0x70: {  	v3 =	vld [tilespmem:s1+$0xD020];
	[tilespmem:s3+$0x10140] =	vst v1;
	v1 =	vadd.s32 $0x40000, v2  }
0x71: {  	v2 =	vld [tilespmem:s1+$0xD030];
	[tilespmem:s3+$0x10150] =	vst v1;
	v1 =	vadd.s32 $0x40000, v5  }
0x72: {  	v5 =	vld [tilespmem:s1+$0xD040];
	[tilespmem:s3+$0x10160] =	vst v1;
	v1 =	vadd.s32 $0x40000, v7  }
0x73: {  	v7 =	vld [tilespmem:s1+$0xD050];
	v6 =	vadd.s32 $0x40000, v6;
	[tilespmem:s1+$0x10170] =	vst v1  }
0x74: {  	[tilespmem:s1+$0x10100] =	vst v6;
	v1 =	vadd.s32 $0x40000, v4;
	v4 =	vld [tilespmem:s1+$0xD060]  }
0x75: {  	[tilespmem:s1+$0x10110] =	vst v1;
	v1 =	vadd.s32 $0x40000, v3  }
0x76: {  	[tilespmem:s1+$0x10120] =	vst v1;
	v1 =	vadd.s32 $0x40000, v2  }
0x77: {  	[tilespmem:s1+$0x10130] =	vst v1;
	v1 =	vadd.s32 $0x40000, v5  }
0x78: {  	[tilespmem:s1+$0x10140] =	vst v1;
	v1 =	vadd.s32 $0x40000, v7  }
0x79: {  	[tilespmem:s1+$0x10150] =	vst v1;
	v1 =	vadd.s32 $0x40000, v4  }
0x7a: {  	[tilespmem:s1+$0x10160] =	vst v1  }
0x7b: {  	_ =	swait.ge [sflag:s29], $0x3100  }
0x7c: {  	[sflag:s29] =	ssyncset.done $0x0  }
0x7d: {  	[sflag:s29] =	ssyncadd.s32 $0xFFFFCF00  }
0x7e: {  	[spmem:s2] =	stream.indirect.scatter.add.f32 [tilespmem:s23], [sflag:$0x4], $0x1, s22, s30, $0xb8;
	[tilespmem:$0x19400] =	vst v63  }
0x7f: {  	_ =	swait.ge [sflag:s31], $0x3100  }
0x80: {  	[sflag:s31] =	ssyncset.done $0x0  }
0x81: {  	s4 =	simm.s32 $0x0;
	s3 =	simm.s32 $0x0;
	[sflag:s31] =	ssyncadd.s32 $0xFFFFCF00  }
0x82: {  	[tilespmem:s23], [sflag:$0x2] =	stream.linear.gather [hbm4b:s19+s4], $0x3100, $0x38;
	[tilespmem:$0x19400] =	vst v63  }
0x83: {  	v2 =	vld [tilespmem:s3+$0x10170]  }
0x84: {  	v5 =	vld [tilespmem:s3+$0x10100]  }
0x85: {  	v6 =	vld [tilespmem:s3+$0x10110]  }
0x86: {  	v4 =	vld [tilespmem:s3+$0x10120]  }
0x87: {  	v3 =	vld [tilespmem:s3+$0x10130]  }
0x88: {  	v1 =	vld [tilespmem:s3+$0x10140];
	v7 =	vadd.s32 $0x40000, v2  }
0x89: {  	v2 =	vld [tilespmem:s3+$0x10150];
	v5 =	vadd.s32 $0x40000, v5;
	[tilespmem:s3+$0xD070] =	vst v7  }
0x8a: {  	s1 =	simm.s32 $0x80;
	s4 =	simm.s32 $0x400;
	v6 =	vadd.s32 $0x40000, v6;
	[tilespmem:s3+$0xD000] =	vst v5;
	v5 =	vld [tilespmem:s3+$0x10160]  }
.LBB2_6:
0x8b: {  	p0 =	sne.s32 s4, $0xC200;
	v7 =	vld [tilespmem:s1+$0x10170];
	[tilespmem:s3+$0xD010] =	vst v6;
	v4 =	vadd.s32 $0x40000, v4  }
0x8c: {  	v6 =	vld [tilespmem:s1+$0x10100];
	[tilespmem:s3+$0xD020] =	vst v4;
	v3 =	vadd.s32 $0x40000, v3  }
0x8d: {  	v8 =	vld [tilespmem:s1+$0x10110];
	[tilespmem:s3+$0xD030] =	vst v3;
	v1 =	vadd.s32 $0x40000, v1  }
.Ltmp2:
0x8e: {  	v4 =	vld [tilespmem:s1+$0x10120];
	[tilespmem:s3+$0xD040] =	vst v1;
	v1 =	vadd.s32 $0x40000, v2;
	(pc) =	sbr.rel @p0 .LBB2_6-.Ltmp2, $4  }
0x8f: {  	v3 =	vld [tilespmem:s1+$0x10130];
	[tilespmem:s3+$0xD050] =	vst v1;
	v2 =	vadd.s32 $0x40000, v5  }
0x90: {  	v1 =	vld [tilespmem:s1+$0x10140];
	v5 =	vadd.s32 $0x40000, v7;
	[tilespmem:s3+$0xD060] =	vst v2;
	s3 =	smov.u32 s1  }
0x91: {  	v6 =	vadd.s32 $0x40000, v6;
	v2 =	vld [tilespmem:s3+$0x10150];
	[tilespmem:s3+$0xD070] =	vst v5  }
0x92: {  	s1 =	sshra.s32 s4, $0x2;
	s4 =	sadd.s32 $0x200, s4;
	[tilespmem:s3+$0xD000] =	vst v6;
	v6 =	vadd.s32 $0x40000, v8;
	v5 =	vld [tilespmem:s3+$0x10160]  }
0x93: {  	v7 =	vld [tilespmem:s1+$0x10170];
	[tilespmem:s3+$0xD010] =	vst v6;
	v4 =	vadd.s32 $0x40000, v4  }
0x94: {  	v6 =	vld [tilespmem:s1+$0x10100];
	[tilespmem:s3+$0xD020] =	vst v4;
	v3 =	vadd.s32 $0x40000, v3  }
0x95: {  	v4 =	vld [tilespmem:s1+$0x10110];
	[tilespmem:s3+$0xD030] =	vst v3;
	v1 =	vadd.s32 $0x40000, v1  }
0x96: {  	v3 =	vld [tilespmem:s1+$0x10120];
	[tilespmem:s3+$0xD040] =	vst v1;
	v1 =	vadd.s32 $0x40000, v2  }
0x97: {  	v2 =	vld [tilespmem:s1+$0x10130];
	[tilespmem:s3+$0xD050] =	vst v1;
	v1 =	vadd.s32 $0x40000, v5  }
0x98: {  	v61 =	vld [tilespmem:s1+$0x10140];
	[tilespmem:s3+$0xD060] =	vst v1;
	v1 =	vadd.s32 $0x40000, v7  }
0x99: {  	v62 =	vld [tilespmem:s1+$0x10150];
	v6 =	vadd.s32 $0x40000, v6;
	[tilespmem:s1+$0xD070] =	vst v1  }
0x9a: {  	v63 =	vld [tilespmem:s1+$0x10160];
	[tilespmem:s1+$0xD000] =	vst v6;
	v1 =	vadd.s32 $0x40000, v4  }
0x9b: {  	[tilespmem:s1+$0xD010] =	vst v1;
	v1 =	vadd.s32 $0x40000, v3  }
0x9c: {  	[tilespmem:s1+$0xD020] =	vst v1;
	v1 =	vadd.s32 $0x40000, v2  }
0x9d: {  	[tilespmem:s1+$0xD030] =	vst v1;
	v1 =	vadd.s32 $0x40000, v61  }
0x9e: {  	[tilespmem:s1+$0xD040] =	vst v1;
	v1 =	vadd.s32 $0x40000, v62  }
0x9f: {  	[tilespmem:s1+$0xD050] =	vst v1;
	v1 =	vadd.s32 $0x40000, v63  }
0xa0: {  	[tilespmem:s1+$0xD060] =	vst v1  }
0xa1: {  	_ =	swait.ge [sflag:s26], $0x3100  }
0xa2: {  	[sflag:s26] =	ssyncset.done $0x0  }
0xa3: {  	s4 =	simm.s32 $0x10100;
	[sflag:s26] =	ssyncadd.s32 $0xFFFFCF00  }
0xa4: {  	[spmem:s2] =	stream.indirect.scatter.add.f32 [tilespmem:s28], [sflag:$0x4], $0x1, s4, s30, $0xb8;
	[tilespmem:$0x19400] =	vst v63  }
0xa5: {  	_ =	swait.ge [sflag:s31], $0x3100  }
0xa6: {  	[sflag:s31] =	ssyncset.done $0x0  }
0xa7: {  	[sflag:s31] =	ssyncadd.s32 $0xFFFFCF00  }
0xa8: {  	_ =	swait.ge [sflag:s29], $0x3100  }
0xa9: {  	[sflag:s29] =	ssyncset.done $0x0  }
0xaa: {  	[sflag:s29] =	ssyncadd.s32 $0xFFFFCF00  }
0xab: {  	[spmem:s2] =	stream.indirect.scatter.add.f32 [tilespmem:s23], [sflag:$0x4], $0x1, s22, s30, $0xb8;
	[tilespmem:$0x19400] =	vst v63  }
0xac: {  	s3 =	stileid.u32;
	_ =	swait.ge [sflag:s31], $0x3100  }
0xad: {  	s0 =	sadd.s32 $0x1, s0;
	s1 =	sshll.u32 s3, $0x6;
	[sflag:s31] =	ssyncset.done $0x0  }
0xae: {  	p0 =	sne.s32 s0, s21;
	s1 =	sor.u32 $0x1C04, s1;
	[sflag:s31] =	ssyncadd.s32 $0xFFFFCF00  }
.Ltmp3:
0xaf: {  	s4 =	sshrl.u32 s5, $0x3;
	[bflag:$0x0] =	sbarrier.arrive $0xFFFF;
	(pc) =	sbr.rel @p0 .LBB2_1-.Ltmp3, $4  }
0xb0: {  	[hbm:s20], [sflag:s1] =	dma.local [spmem:s4], $0x1800  }
0xb1: {  	_ =	swait.ge [sflag:s31], $0x1800  }
0xb2: {  	[sflag:s31] =	ssyncset.done $0x0  }
0xb3: {  	[sflag:s31] =	ssyncadd.s32 $0xFFFFE800  }
0xb4: {  	_ =	sfence.sel $0x180000  }
0xb5: {  	[bflag:$0x0] =	sbarrier.arrive $0xFFFF  }
0xb6: {  	_ =	strace $0x90000047  }
0xb7: {  	s0 =	stileid.u32;
	[bflag:$0x2] =	sbarrier.arrive $0xFFFF  }
0xb8: {  	p0 =	sne.s32 s0, $0x0;
	s0 =	rddreg [dreg:$0x3]  }
0xb9: {  	s0 =	sadd.s32 @!p0 $0x100000, s0  }
0xba: {  	[sflag:s0] =	ssyncadd.tile.s32 @!p0 $0x1;
	_ =	shalt  }
.Lfunc_end2:
_tile_overlayer_lowered:
.L_overlay_start_2:
0xbb: {  	(tag) =	ssettag $0x2  }
0xbc: {  	s0 =	rddreg [dreg:$0x0];
	s2 =	stileid.u32  }
0xbd: {  	s1 =	rddreg [dreg:$0x1];
	p0 =	sne.s32 s2, $0x0  }
0xbe: {  	s3 =	rddreg [dreg:$0x2];
	[bflag:$0x3] =	sbarrier.arrive $0xFFFF;
	s2 =	simm.s32 @!p0 $0x1C04  }
0xbf: {  	[timem:s3], [sflag:s2] =	dma.local @!p0 [hbm:s0], s1  }
0xc0: {  	s0 =	simm.s32 @!p0 $0x4  }
0xc1: {  	_ =	swait.ge @!p0 [sflag:s0], s1  }
0xc2: {  	s1 =	ssub.s32 @!p0 $0x0, s1;
	[sflag:s0] =	ssyncset.done @!p0 $0x0  }
0xc3: {  	[sflag:s0] =	ssyncadd.s32 @!p0 s1  }
0xc4: {  	[bflag:$0x3] =	sbarrier.arrive $0xFFFF  }
0xc5: {  	_ =	shalt  }

</sc_bundles>
